<compile_context>
chip_gen: v7x
topology: tpu7x:2x2x1
jax: 0.10.2.dev20260603
libtpu: 0.0.44.dev20260713+nightly
codegen_flags: <defaults>
</compile_context>

<pallas_src>
import jax
import jax.numpy as jnp
from jax import lax
from jax.experimental import pallas as pl
from jax.experimental.pallas import tpu as pltpu
from jax.experimental.pallas import tpu_sc as plsc

_NC = 2
_NS = 16
_NW = _NC * _NS
_L = 16
_C = 256
_NB = 2


def _gather_body(idx_hbm, table_hbm, out_hbm, idx_v, rows_v, trans_v,
                 sem_i, sem_g, sem_o):
    n_total = idx_hbm.shape[0]
    dim = out_hbm.shape[1]
    batch = out_hbm.shape[2]
    n_per_w = n_total // _NW
    n_chunks = n_per_w // _C
    wid = lax.axis_index("s") * _NC + lax.axis_index("c")
    base = wid * n_per_w
    lane = lax.iota(jnp.int32, _L)

    for b in range(_NB):
        pltpu.async_copy(
            idx_hbm.at[pl.ds(base + b * _C, _C)], idx_v.at[b], sem_i.at[b])

    @pl.loop(0, n_chunks, step=_NB)
    def _(j0):
        for b in range(_NB):
            pltpu.make_async_copy(
                idx_hbm.at[pl.ds(base, _C)], idx_v.at[b], sem_i.at[b]).wait()

            @pl.loop(0, _C, step=_L)
            def _(r):
                vals = idx_v[b, pl.ds(r, _L)]
                pltpu.async_copy(
                    table_hbm.at[vals], rows_v.at[b, pl.ds(r, _L)],
                    sem_g.at[b])
        for b in range(_NB):
            pltpu.make_async_copy(
                table_hbm.at[pl.ds(0, _C)], rows_v.at[b], sem_g.at[b]).wait()

            @pl.loop(0, dim)
            def _(i):
                col = lane * 0 + i

                @pl.loop(0, _C, step=_L)
                def _(r):
                    seg = plsc.load_gather(rows_v.at[b], [lane + r, col])
                    trans_v[b, i, pl.ds(r, _L)] = seg

            r0 = base + (j0 + b) * _C
            s = r0 // batch
            b0 = lax.rem(r0, batch)
            pltpu.async_copy(
                trans_v.at[b],
                out_hbm.at[s, pl.ds(0, dim), pl.ds(b0, _C)], sem_o.at[b])
            off_next = base + lax.rem(j0 + _NB + b, n_chunks) * _C
            pltpu.async_copy(
                idx_hbm.at[pl.ds(off_next, _C)], idx_v.at[b], sem_i.at[b])
        for b in range(_NB):
            pltpu.make_async_copy(
                out_hbm.at[0, pl.ds(0, dim), pl.ds(0, _C)],
                trans_v.at[b], sem_o.at[b]).wait()

    for b in range(_NB):
        pltpu.make_async_copy(
            idx_hbm.at[pl.ds(base, _C)], idx_v.at[b], sem_i.at[b]).wait()


def kernel(x, src_weight):
    batch, seq = x.shape
    _, dim = src_weight.shape
    n_total = batch * seq
    idx = x.T.reshape(n_total).astype(jnp.int32)

    mesh = plsc.VectorSubcoreMesh(core_axis_name="c", subcore_axis_name="s")
    out_p = pl.kernel(
        _gather_body,
        out_type=jax.ShapeDtypeStruct((seq, dim, batch), jnp.float32),
        mesh=mesh,
        scratch_types=[
            pltpu.VMEM((_NB, _C), jnp.int32),
            pltpu.VMEM((_NB, _C, dim), jnp.float32),
            pltpu.VMEM((_NB, dim, _C), jnp.float32),
            pltpu.SemaphoreType.DMA((_NB,)),
            pltpu.SemaphoreType.DMA((_NB,)),
            pltpu.SemaphoreType.DMA((_NB,)),
        ],
        compiler_params=pltpu.CompilerParams(
            use_tc_tiling_on_sc=False, needs_layout_passes=False),
    )(idx, src_weight)
    return out_p.transpose(2, 0, 1)

# --- scband reference (transcript-rebuilt; emitter-appended) ---
"""Pipeline reference for scband-embedding-layer-45157286150960 (READ-ONLY COPY).

The authoritative reference and input builder live on the scoring server;
editing this copy changes nothing except your own understanding.
"""

import jax, jax.numpy as jnp
import numpy as np

VOCAB = 1000000
DIM = 64
PAD_ID = 0
BATCH = 4096
SEQ = 200

def setup_inputs(seed: int = 0) -> dict:
    key = jax.random.key(seed)
    k1, k2 = jax.random.split(key)
    x = jax.random.randint(k1, (BATCH, SEQ), 0, VOCAB, dtype=jnp.int64)
    src_weight = jax.random.normal(k2, (VOCAB, DIM), dtype=jnp.float32) * 0.02
    # padding_idx row is zero (nn.Embedding initializes padding row to zeros)
    src_weight = src_weight.at[PAD_ID].set(0.0)
    return {"x": x, "src_weight": src_weight}

def reference(x, src_weight):
    # EmbeddingLayer.src(x) with shared=False -> self.src_weight(x)
    return jnp.take(src_weight, x, axis=0)

if __name__ == "__main__":
    import jax
    _d = setup_inputs()
    print(jax.jit(kernel)(*tuple(_d.values())))

</pallas_src>

<mosaic_0001>
#map = affine_map<(d0, d1) -> (0)>
#map1 = affine_map<(d0, d1) -> (0, 0)>
#map2 = affine_map<(d0, d1) -> (0, 0, 0)>
module attributes {stable_mosaic.version = 14 : i64} {
  func.func @_gather_body(%arg0: i32, %arg1: i32, %arg2: memref<819200xi32, #tpu.memory_space<hbm>>, %arg3: memref<1000000x64xf32, #tpu.memory_space<hbm>>, %arg4: memref<200x64x4096xf32, #tpu.memory_space<hbm>>, %arg5: memref<2x256xi32, #tpu.memory_space<vmem>>, %arg6: memref<2x256x64xf32, #tpu.memory_space<vmem>>, %arg7: memref<2x64x256xf32, #tpu.memory_space<vmem>>, %arg8: memref<2x!tpu.dma_semaphore, #tpu.memory_space<semaphore_mem>>, %arg9: memref<2x!tpu.dma_semaphore, #tpu.memory_space<semaphore_mem>>, %arg10: memref<2x!tpu.dma_semaphore, #tpu.memory_space<semaphore_mem>>) attributes {dimension_semantics = [#tpu.dimension_semantics<core_parallel>, #tpu.dimension_semantics<subcore_parallel>], iteration_bounds = array<i64: 2, 16>, scalar_prefetch = 0 : i64, scratch_operands = 6 : i64, tpu.core_type = #tpu.core_type<sc_vector_subcore>, window_params = [{transform_indices = #map}, {transform_indices = #map1}, {transform_indices = #map2}]} {
    %mul3A = arith.constant 2 : i32
    %mul3A_0 = arith.muli %arg1, %mul3A : i32
    %add3A = arith.addi %mul3A_0, %arg0 : i32
    %mul3A_1 = arith.constant 25600 : i32
    %mul3A_2 = arith.muli %add3A, %mul3A_1 : i32
    %iota3A = tpu.iota {dimensions = array<i32: 0>} : vector<16xi32>
    %add3A_3 = arith.constant 0 : i32
    %add3A_4 = arith.addi %mul3A_2, %add3A_3 : i32
    %dma_start3A = arith.constant 0 : i32
    %dma_start3A_5 = arith.constant 0 : i32
    %dma_start3A_6 = arith.constant 0 : i32
    %dma_start3A_7 = tpu.memref_slice %arg5[%dma_start3A, %dma_start3A_6] : memref<2x256xi32, #tpu.memory_space<vmem>> -> memref<1x256xi32, #tpu.memory_space<vmem>>
    %dma_start3A_8 = tpu.memref_squeeze %dma_start3A_7 : memref<1x256xi32, #tpu.memory_space<vmem>> -> memref<256xi32, #tpu.memory_space<vmem>>
    %dma_start3A_9 = tpu.memref_slice %arg2[%add3A_4] : memref<819200xi32, #tpu.memory_space<hbm>> -> memref<256xi32, #tpu.memory_space<hbm>>
    %dma_start3A_10 = tpu.memref_slice %arg8[%dma_start3A_5] : memref<2x!tpu.dma_semaphore, #tpu.memory_space<semaphore_mem>> -> memref<1x!tpu.dma_semaphore, #tpu.memory_space<semaphore_mem>>
    %dma_start3A_11 = tpu.memref_squeeze %dma_start3A_10 : memref<1x!tpu.dma_semaphore, #tpu.memory_space<semaphore_mem>> -> memref<!tpu.dma_semaphore, #tpu.memory_space<semaphore_mem>>
    %dma_start3A_12 = arith.constant 0 : i32
    %dma_start3A_13 = tpu.memref_slice %arg5[%dma_start3A, %dma_start3A_12] : memref<2x256xi32, #tpu.memory_space<vmem>> -> memref<1x256xi32, #tpu.memory_space<vmem>>
    %dma_start3A_14 = tpu.memref_squeeze %dma_start3A_13 : memref<1x256xi32, #tpu.memory_space<vmem>> -> memref<256xi32, #tpu.memory_space<vmem>>
    %dma_start3A_15 = tpu.memref_slice %arg2[%add3A_4] : memref<819200xi32, #tpu.memory_space<hbm>> -> memref<256xi32, #tpu.memory_space<hbm>>
    tpu.enqueue_dma source(%dma_start3A_15 : memref<256xi32, #tpu.memory_space<hbm>>) target(%dma_start3A_14 : memref<256xi32, #tpu.memory_space<vmem>>) target_semaphore(%dma_start3A_11 : memref<!tpu.dma_semaphore, #tpu.memory_space<semaphore_mem>>)
    %add3A_16 = arith.constant 256 : i32
    %add3A_17 = arith.addi %mul3A_2, %add3A_16 : i32
    %dma_start3A_18 = arith.constant 1 : i32
    %dma_start3A_19 = arith.constant 1 : i32
    %dma_start3A_20 = arith.constant 0 : i32
    %dma_start3A_21 = tpu.memref_slice %arg5[%dma_start3A_18, %dma_start3A_20] : memref<2x256xi32, #tpu.memory_space<vmem>> -> memref<1x256xi32, #tpu.memory_space<vmem>>
    %dma_start3A_22 = tpu.memref_squeeze %dma_start3A_21 : memref<1x256xi32, #tpu.memory_space<vmem>> -> memref<256xi32, #tpu.memory_space<vmem>>
    %dma_start3A_23 = tpu.memref_slice %arg2[%add3A_17] : memref<819200xi32, #tpu.memory_space<hbm>> -> memref<256xi32, #tpu.memory_space<hbm>>
    %dma_start3A_24 = tpu.memref_slice %arg8[%dma_start3A_19] : memref<2x!tpu.dma_semaphore, #tpu.memory_space<semaphore_mem>> -> memref<1x!tpu.dma_semaphore, #tpu.memory_space<semaphore_mem>>
    %dma_start3A_25 = tpu.memref_squeeze %dma_start3A_24 : memref<1x!tpu.dma_semaphore, #tpu.memory_space<semaphore_mem>> -> memref<!tpu.dma_semaphore, #tpu.memory_space<semaphore_mem>>
    %dma_start3A_26 = arith.constant 0 : i32
    %dma_start3A_27 = tpu.memref_slice %arg5[%dma_start3A_18, %dma_start3A_26] : memref<2x256xi32, #tpu.memory_space<vmem>> -> memref<1x256xi32, #tpu.memory_space<vmem>>
    %dma_start3A_28 = tpu.memref_squeeze %dma_start3A_27 : memref<1x256xi32, #tpu.memory_space<vmem>> -> memref<256xi32, #tpu.memory_space<vmem>>
    %dma_start3A_29 = tpu.memref_slice %arg2[%add3A_17] : memref<819200xi32, #tpu.memory_space<hbm>> -> memref<256xi32, #tpu.memory_space<hbm>>
    tpu.enqueue_dma source(%dma_start3A_29 : memref<256xi32, #tpu.memory_space<hbm>>) target(%dma_start3A_28 : memref<256xi32, #tpu.memory_space<vmem>>) target_semaphore(%dma_start3A_25 : memref<!tpu.dma_semaphore, #tpu.memory_space<semaphore_mem>>)
    %scan3A = arith.constant 0 : i32
    %scan3A_30 = arith.constant 50 : i32
    %scan3A_31 = arith.addi %scan3A, %scan3A_30 : i32
    %scan3A_32 = arith.constant 1 : i32
    scf.for %scan3A_57 = %scan3A to %scan3A_31 step %scan3A_32  : i32 {
      %mul3A_58 = arith.constant 2 : i32
      %mul3A_59 = arith.muli %scan3A_57, %mul3A_58 : i32
      %add3A_60 = arith.constant 0 : i32
      %add3A_61 = arith.addi %add3A_60, %mul3A_59 : i32
      %dma_wait3A_62 = arith.constant 0 : i32
      %dma_wait3A_63 = arith.constant 0 : i32
      %dma_wait3A_64 = arith.constant 0 : i32
      %dma_wait3A_65 = tpu.memref_slice %arg5[%dma_wait3A_62, %dma_wait3A_64] : memref<2x256xi32, #tpu.memory_space<vmem>> -> memref<1x256xi32, #tpu.memory_space<vmem>>
      %dma_wait3A_66 = tpu.memref_squeeze %dma_wait3A_65 : memref<1x256xi32, #tpu.memory_space<vmem>> -> memref<256xi32, #tpu.memory_space<vmem>>
      %dma_wait3A_67 = tpu.memref_slice %arg2[%mul3A_2] : memref<819200xi32, #tpu.memory_space<hbm>> -> memref<256xi32, #tpu.memory_space<hbm>>
      %dma_wait3A_68 = tpu.memref_slice %arg8[%dma_wait3A_63] : memref<2x!tpu.dma_semaphore, #tpu.memory_space<semaphore_mem>> -> memref<1x!tpu.dma_semaphore, #tpu.memory_space<semaphore_mem>>
      %dma_wait3A_69 = tpu.memref_squeeze %dma_wait3A_68 : memref<1x!tpu.dma_semaphore, #tpu.memory_space<semaphore_mem>> -> memref<!tpu.dma_semaphore, #tpu.memory_space<semaphore_mem>>
      %dma_wait3A_70 = arith.constant 0 : i32
      %dma_wait3A_71 = tpu.memref_slice %arg5[%dma_wait3A_62, %dma_wait3A_70] : memref<2x256xi32, #tpu.memory_space<vmem>> -> memref<1x256xi32, #tpu.memory_space<vmem>>
      %dma_wait3A_72 = tpu.memref_squeeze %dma_wait3A_71 : memref<1x256xi32, #tpu.memory_space<vmem>> -> memref<256xi32, #tpu.memory_space<vmem>>
      %dma_wait3A_73 = tpu.memref_slice %arg2[%mul3A_2] : memref<819200xi32, #tpu.memory_space<hbm>> -> memref<256xi32, #tpu.memory_space<hbm>>
      tpu.wait_dma2 semaphore(%dma_wait3A_69 : memref<!tpu.dma_semaphore, #tpu.memory_space<semaphore_mem>>) src(%dma_wait3A_73 : memref<256xi32, #tpu.memory_space<hbm>>) dst(%dma_wait3A_72 : memref<256xi32, #tpu.memory_space<vmem>>)
      %scan3A_74 = arith.constant 0 : i32
      %scan3A_75 = arith.constant 16 : i32
      %scan3A_76 = arith.addi %scan3A_74, %scan3A_75 : i32
      %scan3A_77 = arith.constant 1 : i32
      scf.for %scan3A_316 = %scan3A_74 to %scan3A_76 step %scan3A_77  : i32 {
        %mul3A_317 = arith.constant 16 : i32
        %mul3A_318 = arith.muli %scan3A_316, %mul3A_317 : i32
        %add3A_319 = arith.constant 0 : i32
        %add3A_320 = arith.addi %add3A_319, %mul3A_318 : i32
        %get3A = arith.constant 0 : i32
        %get3A_321 = arith.index_cast %get3A : i32 to index
        %get3A_322 = arith.index_cast %add3A_320 : i32 to index
        %get3A_323 = tpu.vector_load %arg5[%get3A_321, %get3A_322] {strides = array<i32>} : memref<2x256xi32, #tpu.memory_space<vmem>>, vector<16xi32>,
        %dma_start3A_324 = arith.constant 0 : i32
        %dma_start3A_325 = arith.constant 0 : i32
        %dma_start3A_326 = arith.constant 0 : i32
        %dma_start3A_327 = tpu.memref_slice %arg6[%dma_start3A_324, %add3A_320, %dma_start3A_326] : memref<2x256x64xf32, #tpu.memory_space<vmem>> -> memref<1x16x64xf32, #tpu.memory_space<vmem>>
        %dma_start3A_328 = tpu.memref_squeeze %dma_start3A_327 : memref<1x16x64xf32, #tpu.memory_space<vmem>> -> memref<16x64xf32, #tpu.memory_space<vmem>>
        %dma_start3A_329 = arith.constant 0 : i32
        %dma_start3A_330 = arith.constant 0 : i32
        %dma_start3A_331 = tpu.memref_slice %arg3[%dma_start3A_329, %dma_start3A_330] : memref<1000000x64xf32, #tpu.memory_space<hbm>> -> memref<1000000x64xf32, #tpu.memory_space<hbm>>
        %dma_start3A_332 = tpu.memref_slice %arg9[%dma_start3A_325] : memref<2x!tpu.dma_semaphore, #tpu.memory_space<semaphore_mem>> -> memref<1x!tpu.dma_semaphore, #tpu.memory_space<semaphore_mem>>
        %dma_start3A_333 = tpu.memref_squeeze %dma_start3A_332 : memref<1x!tpu.dma_semaphore, #tpu.memory_space<semaphore_mem>> -> memref<!tpu.dma_semaphore, #tpu.memory_space<semaphore_mem>>
        tpu.enqueue_indirect_dma source(%dma_start3A_331 : memref<1000000x64xf32, #tpu.memory_space<hbm>>) target(%dma_start3A_328 : memref<16x64xf32, #tpu.memory_space<vmem>>) offsets(%get3A_323 : vector<16xi32>) semaphore(%dma_start3A_333 : memref<!tpu.dma_semaphore, #tpu.memory_space<semaphore_mem>>)
      }
      %scan3A_78 = arith.constant 16 : i32
      %dma_wait3A_79 = arith.constant 1 : i32
      %dma_wait3A_80 = arith.constant 1 : i32
      %dma_wait3A_81 = arith.constant 0 : i32
      %dma_wait3A_82 = tpu.memref_slice %arg5[%dma_wait3A_79, %dma_wait3A_81] : memref<2x256xi32, #tpu.memory_space<vmem>> -> memref<1x256xi32, #tpu.memory_space<vmem>>
      %dma_wait3A_83 = tpu.memref_squeeze %dma_wait3A_82 : memref<1x256xi32, #tpu.memory_space<vmem>> -> memref<256xi32, #tpu.memory_space<vmem>>
      %dma_wait3A_84 = tpu.memref_slice %arg2[%mul3A_2] : memref<819200xi32, #tpu.memory_space<hbm>> -> memref<256xi32, #tpu.memory_space<hbm>>
      %dma_wait3A_85 = tpu.memref_slice %arg8[%dma_wait3A_80] : memref<2x!tpu.dma_semaphore, #tpu.memory_space<semaphore_mem>> -> memref<1x!tpu.dma_semaphore, #tpu.memory_space<semaphore_mem>>
      %dma_wait3A_86 = tpu.memref_squeeze %dma_wait3A_85 : memref<1x!tpu.dma_semaphore, #tpu.memory_space<semaphore_mem>> -> memref<!tpu.dma_semaphore, #tpu.memory_space<semaphore_mem>>
      %dma_wait3A_87 = arith.constant 0 : i32
      %dma_wait3A_88 = tpu.memref_slice %arg5[%dma_wait3A_79, %dma_wait3A_87] : memref<2x256xi32, #tpu.memory_space<vmem>> -> memref<1x256xi32, #tpu.memory_space<vmem>>
      %dma_wait3A_89 = tpu.memref_squeeze %dma_wait3A_88 : memref<1x256xi32, #tpu.memory_space<vmem>> -> memref<256xi32, #tpu.memory_space<vmem>>
      %dma_wait3A_90 = tpu.memref_slice %arg2[%mul3A_2] : memref<819200xi32, #tpu.memory_space<hbm>> -> memref<256xi32, #tpu.memory_space<hbm>>
      tpu.wait_dma2 semaphore(%dma_wait3A_86 : memref<!tpu.dma_semaphore, #tpu.memory_space<semaphore_mem>>) src(%dma_wait3A_90 : memref<256xi32, #tpu.memory_space<hbm>>) dst(%dma_wait3A_89 : memref<256xi32, #tpu.memory_space<vmem>>)
      %scan3A_91 = arith.constant 0 : i32
      %scan3A_92 = arith.constant 16 : i32
      %scan3A_93 = arith.addi %scan3A_91, %scan3A_92 : i32
      %scan3A_94 = arith.constant 1 : i32
      scf.for %scan3A_316 = %scan3A_91 to %scan3A_93 step %scan3A_94  : i32 {
        %mul3A_317 = arith.constant 16 : i32
        %mul3A_318 = arith.muli %scan3A_316, %mul3A_317 : i32
        %add3A_319 = arith.constant 0 : i32
        %add3A_320 = arith.addi %add3A_319, %mul3A_318 : i32
        %get3A = arith.constant 1 : i32
        %get3A_321 = arith.index_cast %get3A : i32 to index
        %get3A_322 = arith.index_cast %add3A_320 : i32 to index
        %get3A_323 = tpu.vector_load %arg5[%get3A_321, %get3A_322] {strides = array<i32>} : memref<2x256xi32, #tpu.memory_space<vmem>>, vector<16xi32>,
        %dma_start3A_324 = arith.constant 1 : i32
        %dma_start3A_325 = arith.constant 1 : i32
        %dma_start3A_326 = arith.constant 0 : i32
        %dma_start3A_327 = tpu.memref_slice %arg6[%dma_start3A_324, %add3A_320, %dma_start3A_326] : memref<2x256x64xf32, #tpu.memory_space<vmem>> -> memref<1x16x64xf32, #tpu.memory_space<vmem>>
        %dma_start3A_328 = tpu.memref_squeeze %dma_start3A_327 : memref<1x16x64xf32, #tpu.memory_space<vmem>> -> memref<16x64xf32, #tpu.memory_space<vmem>>
        %dma_start3A_329 = arith.constant 0 : i32
        %dma_start3A_330 = arith.constant 0 : i32
        %dma_start3A_331 = tpu.memref_slice %arg3[%dma_start3A_329, %dma_start3A_330] : memref<1000000x64xf32, #tpu.memory_space<hbm>> -> memref<1000000x64xf32, #tpu.memory_space<hbm>>
        %dma_start3A_332 = tpu.memref_slice %arg9[%dma_start3A_325] : memref<2x!tpu.dma_semaphore, #tpu.memory_space<semaphore_mem>> -> memref<1x!tpu.dma_semaphore, #tpu.memory_space<semaphore_mem>>
        %dma_start3A_333 = tpu.memref_squeeze %dma_start3A_332 : memref<1x!tpu.dma_semaphore, #tpu.memory_space<semaphore_mem>> -> memref<!tpu.dma_semaphore, #tpu.memory_space<semaphore_mem>>
        tpu.enqueue_indirect_dma source(%dma_start3A_331 : memref<1000000x64xf32, #tpu.memory_space<hbm>>) target(%dma_start3A_328 : memref<16x64xf32, #tpu.memory_space<vmem>>) offsets(%get3A_323 : vector<16xi32>) semaphore(%dma_start3A_333 : memref<!tpu.dma_semaphore, #tpu.memory_space<semaphore_mem>>)
      }
      %scan3A_95 = arith.constant 16 : i32
      %dma_wait3A_96 = arith.constant 0 : i32
      %dma_wait3A_97 = arith.constant 0 : i32
      %dma_wait3A_98 = arith.constant 0 : i32
      %dma_wait3A_99 = arith.constant 0 : i32
      %dma_wait3A_100 = tpu.memref_slice %arg6[%dma_wait3A_96, %dma_wait3A_98, %dma_wait3A_99] : memref<2x256x64xf32, #tpu.memory_space<vmem>> -> memref<1x256x64xf32, #tpu.memory_space<vmem>>
      %dma_wait3A_101 = tpu.memref_squeeze %dma_wait3A_100 : memref<1x256x64xf32, #tpu.memory_space<vmem>> -> memref<256x64xf32, #tpu.memory_space<vmem>>
      %dma_wait3A_102 = arith.constant 0 : i32
      %dma_wait3A_103 = arith.constant 0 : i32
      %dma_wait3A_104 = tpu.memref_slice %arg3[%dma_wait3A_102, %dma_wait3A_103] : memref<1000000x64xf32, #tpu.memory_space<hbm>> -> memref<256x64xf32, #tpu.memory_space<hbm>>
      %dma_wait3A_105 = tpu.memref_slice %arg9[%dma_wait3A_97] : memref<2x!tpu.dma_semaphore, #tpu.memory_space<semaphore_mem>> -> memref<1x!tpu.dma_semaphore, #tpu.memory_space<semaphore_mem>>
      %dma_wait3A_106 = tpu.memref_squeeze %dma_wait3A_105 : memref<1x!tpu.dma_semaphore, #tpu.memory_space<semaphore_mem>> -> memref<!tpu.dma_semaphore, #tpu.memory_space<semaphore_mem>>
      %dma_wait3A_107 = arith.constant 0 : i32
      %dma_wait3A_108 = arith.constant 0 : i32
      %dma_wait3A_109 = tpu.memref_slice %arg6[%dma_wait3A_96, %dma_wait3A_107, %dma_wait3A_108] : memref<2x256x64xf32, #tpu.memory_space<vmem>> -> memref<1x256x64xf32, #tpu.memory_space<vmem>>
      %dma_wait3A_110 = tpu.memref_squeeze %dma_wait3A_109 : memref<1x256x64xf32, #tpu.memory_space<vmem>> -> memref<256x64xf32, #tpu.memory_space<vmem>>
      %dma_wait3A_111 = arith.constant 0 : i32
      %dma_wait3A_112 = arith.constant 0 : i32
      %dma_wait3A_113 = tpu.memref_slice %arg3[%dma_wait3A_111, %dma_wait3A_112] : memref<1000000x64xf32, #tpu.memory_space<hbm>> -> memref<256x64xf32, #tpu.memory_space<hbm>>
      tpu.wait_dma2 semaphore(%dma_wait3A_106 : memref<!tpu.dma_semaphore, #tpu.memory_space<semaphore_mem>>) src(%dma_wait3A_113 : memref<256x64xf32, #tpu.memory_space<hbm>>) dst(%dma_wait3A_110 : memref<256x64xf32, #tpu.memory_space<vmem>>)
      %scan3A_114 = arith.constant 0 : i32
      %scan3A_115 = arith.constant 64 : i32
      %scan3A_116 = arith.addi %scan3A_114, %scan3A_115 : i32
      %scan3A_117 = arith.constant 1 : i32
      scf.for %scan3A_316 = %scan3A_114 to %scan3A_116 step %scan3A_117  : i32 {
        %mul3A_317 = arith.constant 1 : i32
        %mul3A_318 = arith.muli %scan3A_316, %mul3A_317 : i32
        %add3A_319 = arith.constant 0 : i32
        %add3A_320 = arith.addi %add3A_319, %mul3A_318 : i32
        %mul3A_321 = arith.constant 0 : i32
        %mul3A_322 = vector.broadcast %mul3A_321 : i32 to vector<16xi32>
        %mul3A_323 = arith.muli %iota3A, %mul3A_322 : vector<16xi32>
        %add3A_324 = vector.broadcast %add3A_320 : i32 to vector<16xi32>
        %add3A_325 = arith.addi %mul3A_323, %add3A_324 : vector<16xi32>
        %scan3A_326 = arith.constant 0 : i32
        %scan3A_327 = arith.constant 16 : i32
        %scan3A_328 = arith.addi %scan3A_326, %scan3A_327 : i32
        %scan3A_329 = arith.constant 1 : i32
        scf.for %scan3A_331 = %scan3A_326 to %scan3A_328 step %scan3A_329  : i32 {
          %mul3A_332 = arith.constant 16 : i32
          %mul3A_333 = arith.muli %scan3A_331, %mul3A_332 : i32
          %add3A_334 = arith.constant 0 : i32
          %add3A_335 = arith.addi %add3A_334, %mul3A_333 : i32
          %add3A_336 = vector.broadcast %add3A_335 : i32 to vector<16xi32>
          %add3A_337 = arith.addi %iota3A, %add3A_336 : vector<16xi32>
          %gather3A = arith.constant 0 : i32
          %gather3A_338 = arith.constant 0 : i32
          %gather3A_339 = arith.constant 0 : i32
          %gather3A_340 = tpu.memref_slice %arg6[%gather3A, %gather3A_338, %gather3A_339] : memref<2x256x64xf32, #tpu.memory_space<vmem>> -> memref<1x256x64xf32, #tpu.memory_space<vmem>>
          %gather3A_341 = tpu.memref_squeeze %gather3A_340 : memref<1x256x64xf32, #tpu.memory_space<vmem>> -> memref<256x64xf32, #tpu.memory_space<vmem>>
          %gather3A_342 = tpu.vector_load_idx %gather3A_341[%add3A_337, %add3A_325] : memref<256x64xf32, #tpu.memory_space<vmem>>[vector<16xi32>, vector<16xi32>], vector<16xf32>,
          %swap3A = arith.constant 0 : i32
          %swap3A_343 = arith.index_cast %swap3A : i32 to index
          %swap3A_344 = arith.index_cast %add3A_320 : i32 to index
          %swap3A_345 = arith.index_cast %add3A_335 : i32 to index
          %swap3A_346 = tpu.vector_load %arg7[%swap3A_343, %swap3A_344, %swap3A_345] {strides = array<i32>} : memref<2x64x256xf32, #tpu.memory_space<vmem>>, vector<16xf32>,
          tpu.vector_store %arg7[%swap3A_343, %swap3A_344, %swap3A_345], %gather3A_342 {strides = array<i32>} : memref<2x64x256xf32, #tpu.memory_space<vmem>>, vector<16xf32>,
        }
        %scan3A_330 = arith.constant 16 : i32
      }
      %scan3A_118 = arith.constant 64 : i32
      %add3A_119 = arith.constant 0 : i32
      %add3A_120 = arith.addi %add3A_61, %add3A_119 : i32
      %mul3A_121 = arith.constant 256 : i32
      %mul3A_122 = arith.muli %add3A_120, %mul3A_121 : i32
      %add3A_123 = arith.addi %mul3A_2, %mul3A_122 : i32
      %jit3A = arith.constant 4096 : i32
      %div3A = arith.divsi %add3A_123, %jit3A : i32
      %sign3A = arith.constant 0 : i32
      %sign3A_124 = arith.cmpi sgt, %add3A_123, %sign3A : i32
      %sign3A_125 = arith.extui %sign3A_124 : i1 to i32
      %sign3A_126 = arith.constant 0 : i32
      %sign3A_127 = arith.cmpi slt, %add3A_123, %sign3A_126 : i32
      %sign3A_128 = arith.extui %sign3A_127 : i1 to i32
      %sign3A_129 = arith.subi %sign3A_125, %sign3A_128 : i32
      %sign3A_130 = arith.constant 0 : i32
      %sign3A_131 = arith.cmpi sgt, %jit3A, %sign3A_130 : i32
      %sign3A_132 = arith.extui %sign3A_131 : i1 to i32
      %sign3A_133 = arith.constant 0 : i32
      %sign3A_134 = arith.cmpi slt, %jit3A, %sign3A_133 : i32
      %sign3A_135 = arith.extui %sign3A_134 : i1 to i32
      %sign3A_136 = arith.subi %sign3A_132, %sign3A_135 : i32
      %ne3A = arith.cmpi ne, %sign3A_129, %sign3A_136 : i32
      %rem3A = arith.remsi %add3A_123, %jit3A : i32
      %ne3A_137 = arith.constant 0 : i32
      %ne3A_138 = arith.cmpi ne, %rem3A, %ne3A_137 : i32
      %and3A = arith.andi %ne3A, %ne3A_138 : i1
      %sub3A = arith.constant 1 : i32
      %sub3A_139 = arith.subi %div3A, %sub3A : i32
      %select_n3A = arith.select %and3A, %sub3A_139, %div3A : i32
      %rem3A_140 = arith.constant 4096 : i32
      %rem3A_141 = arith.remsi %add3A_123, %rem3A_140 : i32
      %dma_start3A_142 = arith.constant 0 : i32
      %dma_start3A_143 = arith.constant 0 : i32
      %dma_start3A_144 = arith.constant 0 : i32
      %dma_start3A_145 = arith.constant 0 : i32
      %dma_start3A_146 = tpu.memref_slice %arg7[%dma_start3A_142, %dma_start3A_144, %dma_start3A_145] : memref<2x64x256xf32, #tpu.memory_space<vmem>> -> memref<1x64x256xf32, #tpu.memory_space<vmem>>
      %dma_start3A_147 = tpu.memref_squeeze %dma_start3A_146 : memref<1x64x256xf32, #tpu.memory_space<vmem>> -> memref<64x256xf32, #tpu.memory_space<vmem>>
      %dma_start3A_148 = arith.constant 0 : i32
      %dma_start3A_149 = tpu.memref_slice %arg4[%select_n3A, %dma_start3A_148, %rem3A_141] : memref<200x64x4096xf32, #tpu.memory_space<hbm>> -> memref<1x64x256xf32, #tpu.memory_space<hbm>>
      %dma_start3A_150 = tpu.memref_squeeze %dma_start3A_149 : memref<1x64x256xf32, #tpu.memory_space<hbm>> -> memref<64x256xf32, #tpu.memory_space<hbm>>
      %dma_start3A_151 = tpu.memref_slice %arg10[%dma_start3A_143] : memref<2x!tpu.dma_semaphore, #tpu.memory_space<semaphore_mem>> -> memref<1x!tpu.dma_semaphore, #tpu.memory_space<semaphore_mem>>
      %dma_start3A_152 = tpu.memref_squeeze %dma_start3A_151 : memref<1x!tpu.dma_semaphore, #tpu.memory_space<semaphore_mem>> -> memref<!tpu.dma_semaphore, #tpu.memory_space<semaphore_mem>>
      %dma_start3A_153 = arith.constant 0 : i32
      %dma_start3A_154 = tpu.memref_slice %arg4[%select_n3A, %dma_start3A_153, %rem3A_141] : memref<200x64x4096xf32, #tpu.memory_space<hbm>> -> memref<1x64x256xf32, #tpu.memory_space<hbm>>
      %dma_start3A_155 = tpu.memref_squeeze %dma_start3A_154 : memref<1x64x256xf32, #tpu.memory_space<hbm>> -> memref<64x256xf32, #tpu.memory_space<hbm>>
      %dma_start3A_156 = arith.constant 0 : i32
      %dma_start3A_157 = arith.constant 0 : i32
      %dma_start3A_158 = tpu.memref_slice %arg7[%dma_start3A_142, %dma_start3A_156, %dma_start3A_157] : memref<2x64x256xf32, #tpu.memory_space<vmem>> -> memref<1x64x256xf32, #tpu.memory_space<vmem>>
      %dma_start3A_159 = tpu.memref_squeeze %dma_start3A_158 : memref<1x64x256xf32, #tpu.memory_space<vmem>> -> memref<64x256xf32, #tpu.memory_space<vmem>>
      tpu.enqueue_dma source(%dma_start3A_159 : memref<64x256xf32, #tpu.memory_space<vmem>>) target(%dma_start3A_155 : memref<64x256xf32, #tpu.memory_space<hbm>>) target_semaphore(%dma_start3A_152 : memref<!tpu.dma_semaphore, #tpu.memory_space<semaphore_mem>>)
      %add3A_160 = arith.constant 2 : i32
      %add3A_161 = arith.addi %add3A_61, %add3A_160 : i32
      %add3A_162 = arith.constant 0 : i32
      %add3A_163 = arith.addi %add3A_161, %add3A_162 : i32
      %rem3A_164 = arith.constant 100 : i32
      %rem3A_165 = arith.remsi %add3A_163, %rem3A_164 : i32
      %mul3A_166 = arith.constant 256 : i32
      %mul3A_167 = arith.muli %rem3A_165, %mul3A_166 : i32
      %add3A_168 = arith.addi %mul3A_2, %mul3A_167 : i32
      %dma_start3A_169 = arith.constant 0 : i32
      %dma_start3A_170 = arith.constant 0 : i32
      %dma_start3A_171 = arith.constant 0 : i32
      %dma_start3A_172 = tpu.memref_slice %arg5[%dma_start3A_169, %dma_start3A_171] : memref<2x256xi32, #tpu.memory_space<vmem>> -> memref<1x256xi32, #tpu.memory_space<vmem>>
      %dma_start3A_173 = tpu.memref_squeeze %dma_start3A_172 : memref<1x256xi32, #tpu.memory_space<vmem>> -> memref<256xi32, #tpu.memory_space<vmem>>
      %dma_start3A_174 = tpu.memref_slice %arg2[%add3A_168] : memref<819200xi32, #tpu.memory_space<hbm>> -> memref<256xi32, #tpu.memory_space<hbm>>
      %dma_start3A_175 = tpu.memref_slice %arg8[%dma_start3A_170] : memref<2x!tpu.dma_semaphore, #tpu.memory_space<semaphore_mem>> -> memref<1x!tpu.dma_semaphore, #tpu.memory_space<semaphore_mem>>
      %dma_start3A_176 = tpu.memref_squeeze %dma_start3A_175 : memref<1x!tpu.dma_semaphore, #tpu.memory_space<semaphore_mem>> -> memref<!tpu.dma_semaphore, #tpu.memory_space<semaphore_mem>>
      %dma_start3A_177 = arith.constant 0 : i32
      %dma_start3A_178 = tpu.memref_slice %arg5[%dma_start3A_169, %dma_start3A_177] : memref<2x256xi32, #tpu.memory_space<vmem>> -> memref<1x256xi32, #tpu.memory_space<vmem>>
      %dma_start3A_179 = tpu.memref_squeeze %dma_start3A_178 : memref<1x256xi32, #tpu.memory_space<vmem>> -> memref<256xi32, #tpu.memory_space<vmem>>
      %dma_start3A_180 = tpu.memref_slice %arg2[%add3A_168] : memref<819200xi32, #tpu.memory_space<hbm>> -> memref<256xi32, #tpu.memory_space<hbm>>
      tpu.enqueue_dma source(%dma_start3A_180 : memref<256xi32, #tpu.memory_space<hbm>>) target(%dma_start3A_179 : memref<256xi32, #tpu.memory_space<vmem>>) target_semaphore(%dma_start3A_176 : memref<!tpu.dma_semaphore, #tpu.memory_space<semaphore_mem>>)
      %dma_wait3A_181 = arith.constant 1 : i32
      %dma_wait3A_182 = arith.constant 1 : i32
      %dma_wait3A_183 = arith.constant 0 : i32
      %dma_wait3A_184 = arith.constant 0 : i32
      %dma_wait3A_185 = tpu.memref_slice %arg6[%dma_wait3A_181, %dma_wait3A_183, %dma_wait3A_184] : memref<2x256x64xf32, #tpu.memory_space<vmem>> -> memref<1x256x64xf32, #tpu.memory_space<vmem>>
      %dma_wait3A_186 = tpu.memref_squeeze %dma_wait3A_185 : memref<1x256x64xf32, #tpu.memory_space<vmem>> -> memref<256x64xf32, #tpu.memory_space<vmem>>
      %dma_wait3A_187 = arith.constant 0 : i32
      %dma_wait3A_188 = arith.constant 0 : i32
      %dma_wait3A_189 = tpu.memref_slice %arg3[%dma_wait3A_187, %dma_wait3A_188] : memref<1000000x64xf32, #tpu.memory_space<hbm>> -> memref<256x64xf32, #tpu.memory_space<hbm>>
      %dma_wait3A_190 = tpu.memref_slice %arg9[%dma_wait3A_182] : memref<2x!tpu.dma_semaphore, #tpu.memory_space<semaphore_mem>> -> memref<1x!tpu.dma_semaphore, #tpu.memory_space<semaphore_mem>>
      %dma_wait3A_191 = tpu.memref_squeeze %dma_wait3A_190 : memref<1x!tpu.dma_semaphore, #tpu.memory_space<semaphore_mem>> -> memref<!tpu.dma_semaphore, #tpu.memory_space<semaphore_mem>>
      %dma_wait3A_192 = arith.constant 0 : i32
      %dma_wait3A_193 = arith.constant 0 : i32
      %dma_wait3A_194 = tpu.memref_slice %arg6[%dma_wait3A_181, %dma_wait3A_192, %dma_wait3A_193] : memref<2x256x64xf32, #tpu.memory_space<vmem>> -> memref<1x256x64xf32, #tpu.memory_space<vmem>>
      %dma_wait3A_195 = tpu.memref_squeeze %dma_wait3A_194 : memref<1x256x64xf32, #tpu.memory_space<vmem>> -> memref<256x64xf32, #tpu.memory_space<vmem>>
      %dma_wait3A_196 = arith.constant 0 : i32
      %dma_wait3A_197 = arith.constant 0 : i32
      %dma_wait3A_198 = tpu.memref_slice %arg3[%dma_wait3A_196, %dma_wait3A_197] : memref<1000000x64xf32, #tpu.memory_space<hbm>> -> memref<256x64xf32, #tpu.memory_space<hbm>>
      tpu.wait_dma2 semaphore(%dma_wait3A_191 : memref<!tpu.dma_semaphore, #tpu.memory_space<semaphore_mem>>) src(%dma_wait3A_198 : memref<256x64xf32, #tpu.memory_space<hbm>>) dst(%dma_wait3A_195 : memref<256x64xf32, #tpu.memory_space<vmem>>)
      %scan3A_199 = arith.constant 0 : i32
      %scan3A_200 = arith.constant 64 : i32
      %scan3A_201 = arith.addi %scan3A_199, %scan3A_200 : i32
      %scan3A_202 = arith.constant 1 : i32
      scf.for %scan3A_316 = %scan3A_199 to %scan3A_201 step %scan3A_202  : i32 {
        %mul3A_317 = arith.constant 1 : i32
        %mul3A_318 = arith.muli %scan3A_316, %mul3A_317 : i32
        %add3A_319 = arith.constant 0 : i32
        %add3A_320 = arith.addi %add3A_319, %mul3A_318 : i32
        %mul3A_321 = arith.constant 0 : i32
        %mul3A_322 = vector.broadcast %mul3A_321 : i32 to vector<16xi32>
        %mul3A_323 = arith.muli %iota3A, %mul3A_322 : vector<16xi32>
        %add3A_324 = vector.broadcast %add3A_320 : i32 to vector<16xi32>
        %add3A_325 = arith.addi %mul3A_323, %add3A_324 : vector<16xi32>
        %scan3A_326 = arith.constant 0 : i32
        %scan3A_327 = arith.constant 16 : i32
        %scan3A_328 = arith.addi %scan3A_326, %scan3A_327 : i32
        %scan3A_329 = arith.constant 1 : i32
        scf.for %scan3A_331 = %scan3A_326 to %scan3A_328 step %scan3A_329  : i32 {
          %mul3A_332 = arith.constant 16 : i32
          %mul3A_333 = arith.muli %scan3A_331, %mul3A_332 : i32
          %add3A_334 = arith.constant 0 : i32
          %add3A_335 = arith.addi %add3A_334, %mul3A_333 : i32
          %add3A_336 = vector.broadcast %add3A_335 : i32 to vector<16xi32>
          %add3A_337 = arith.addi %iota3A, %add3A_336 : vector<16xi32>
          %gather3A = arith.constant 1 : i32
          %gather3A_338 = arith.constant 0 : i32
          %gather3A_339 = arith.constant 0 : i32
          %gather3A_340 = tpu.memref_slice %arg6[%gather3A, %gather3A_338, %gather3A_339] : memref<2x256x64xf32, #tpu.memory_space<vmem>> -> memref<1x256x64xf32, #tpu.memory_space<vmem>>
          %gather3A_341 = tpu.memref_squeeze %gather3A_340 : memref<1x256x64xf32, #tpu.memory_space<vmem>> -> memref<256x64xf32, #tpu.memory_space<vmem>>
          %gather3A_342 = tpu.vector_load_idx %gather3A_341[%add3A_337, %add3A_325] : memref<256x64xf32, #tpu.memory_space<vmem>>[vector<16xi32>, vector<16xi32>], vector<16xf32>,
          %swap3A = arith.constant 1 : i32
          %swap3A_343 = arith.index_cast %swap3A : i32 to index
          %swap3A_344 = arith.index_cast %add3A_320 : i32 to index
          %swap3A_345 = arith.index_cast %add3A_335 : i32 to index
          %swap3A_346 = tpu.vector_load %arg7[%swap3A_343, %swap3A_344, %swap3A_345] {strides = array<i32>} : memref<2x64x256xf32, #tpu.memory_space<vmem>>, vector<16xf32>,
          tpu.vector_store %arg7[%swap3A_343, %swap3A_344, %swap3A_345], %gather3A_342 {strides = array<i32>} : memref<2x64x256xf32, #tpu.memory_space<vmem>>, vector<16xf32>,
        }
        %scan3A_330 = arith.constant 16 : i32
      }
      %scan3A_203 = arith.constant 64 : i32
      %add3A_204 = arith.constant 1 : i32
      %add3A_205 = arith.addi %add3A_61, %add3A_204 : i32
      %mul3A_206 = arith.constant 256 : i32
      %mul3A_207 = arith.muli %add3A_205, %mul3A_206 : i32
      %add3A_208 = arith.addi %mul3A_2, %mul3A_207 : i32
      %jit3A_209 = arith.constant 4096 : i32
      %div3A_210 = arith.divsi %add3A_208, %jit3A_209 : i32
      %sign3A_211 = arith.constant 0 : i32
      %sign3A_212 = arith.cmpi sgt, %add3A_208, %sign3A_211 : i32
      %sign3A_213 = arith.extui %sign3A_212 : i1 to i32
      %sign3A_214 = arith.constant 0 : i32
      %sign3A_215 = arith.cmpi slt, %add3A_208, %sign3A_214 : i32
      %sign3A_216 = arith.extui %sign3A_215 : i1 to i32
      %sign3A_217 = arith.subi %sign3A_213, %sign3A_216 : i32
      %sign3A_218 = arith.constant 0 : i32
      %sign3A_219 = arith.cmpi sgt, %jit3A_209, %sign3A_218 : i32
      %sign3A_220 = arith.extui %sign3A_219 : i1 to i32
      %sign3A_221 = arith.constant 0 : i32
      %sign3A_222 = arith.cmpi slt, %jit3A_209, %sign3A_221 : i32
      %sign3A_223 = arith.extui %sign3A_222 : i1 to i32
      %sign3A_224 = arith.subi %sign3A_220, %sign3A_223 : i32
      %ne3A_225 = arith.cmpi ne, %sign3A_217, %sign3A_224 : i32
      %rem3A_226 = arith.remsi %add3A_208, %jit3A_209 : i32
      %ne3A_227 = arith.constant 0 : i32
      %ne3A_228 = arith.cmpi ne, %rem3A_226, %ne3A_227 : i32
      %and3A_229 = arith.andi %ne3A_225, %ne3A_228 : i1
      %sub3A_230 = arith.constant 1 : i32
      %sub3A_231 = arith.subi %div3A_210, %sub3A_230 : i32
      %select_n3A_232 = arith.select %and3A_229, %sub3A_231, %div3A_210 : i32
      %rem3A_233 = arith.constant 4096 : i32
      %rem3A_234 = arith.remsi %add3A_208, %rem3A_233 : i32
      %dma_start3A_235 = arith.constant 1 : i32
      %dma_start3A_236 = arith.constant 1 : i32
      %dma_start3A_237 = arith.constant 0 : i32
      %dma_start3A_238 = arith.constant 0 : i32
      %dma_start3A_239 = tpu.memref_slice %arg7[%dma_start3A_235, %dma_start3A_237, %dma_start3A_238] : memref<2x64x256xf32, #tpu.memory_space<vmem>> -> memref<1x64x256xf32, #tpu.memory_space<vmem>>
      %dma_start3A_240 = tpu.memref_squeeze %dma_start3A_239 : memref<1x64x256xf32, #tpu.memory_space<vmem>> -> memref<64x256xf32, #tpu.memory_space<vmem>>
      %dma_start3A_241 = arith.constant 0 : i32
      %dma_start3A_242 = tpu.memref_slice %arg4[%select_n3A_232, %dma_start3A_241, %rem3A_234] : memref<200x64x4096xf32, #tpu.memory_space<hbm>> -> memref<1x64x256xf32, #tpu.memory_space<hbm>>
      %dma_start3A_243 = tpu.memref_squeeze %dma_start3A_242 : memref<1x64x256xf32, #tpu.memory_space<hbm>> -> memref<64x256xf32, #tpu.memory_space<hbm>>
      %dma_start3A_244 = tpu.memref_slice %arg10[%dma_start3A_236] : memref<2x!tpu.dma_semaphore, #tpu.memory_space<semaphore_mem>> -> memref<1x!tpu.dma_semaphore, #tpu.memory_space<semaphore_mem>>
      %dma_start3A_245 = tpu.memref_squeeze %dma_start3A_244 : memref<1x!tpu.dma_semaphore, #tpu.memory_space<semaphore_mem>> -> memref<!tpu.dma_semaphore, #tpu.memory_space<semaphore_mem>>
      %dma_start3A_246 = arith.constant 0 : i32
      %dma_start3A_247 = tpu.memref_slice %arg4[%select_n3A_232, %dma_start3A_246, %rem3A_234] : memref<200x64x4096xf32, #tpu.memory_space<hbm>> -> memref<1x64x256xf32, #tpu.memory_space<hbm>>
      %dma_start3A_248 = tpu.memref_squeeze %dma_start3A_247 : memref<1x64x256xf32, #tpu.memory_space<hbm>> -> memref<64x256xf32, #tpu.memory_space<hbm>>
      %dma_start3A_249 = arith.constant 0 : i32
      %dma_start3A_250 = arith.constant 0 : i32
      %dma_start3A_251 = tpu.memref_slice %arg7[%dma_start3A_235, %dma_start3A_249, %dma_start3A_250] : memref<2x64x256xf32, #tpu.memory_space<vmem>> -> memref<1x64x256xf32, #tpu.memory_space<vmem>>
      %dma_start3A_252 = tpu.memref_squeeze %dma_start3A_251 : memref<1x64x256xf32, #tpu.memory_space<vmem>> -> memref<64x256xf32, #tpu.memory_space<vmem>>
      tpu.enqueue_dma source(%dma_start3A_252 : memref<64x256xf32, #tpu.memory_space<vmem>>) target(%dma_start3A_248 : memref<64x256xf32, #tpu.memory_space<hbm>>) target_semaphore(%dma_start3A_245 : memref<!tpu.dma_semaphore, #tpu.memory_space<semaphore_mem>>)
      %add3A_253 = arith.constant 2 : i32
      %add3A_254 = arith.addi %add3A_61, %add3A_253 : i32
      %add3A_255 = arith.constant 1 : i32
      %add3A_256 = arith.addi %add3A_254, %add3A_255 : i32
      %rem3A_257 = arith.constant 100 : i32
      %rem3A_258 = arith.remsi %add3A_256, %rem3A_257 : i32
      %mul3A_259 = arith.constant 256 : i32
      %mul3A_260 = arith.muli %rem3A_258, %mul3A_259 : i32
      %add3A_261 = arith.addi %mul3A_2, %mul3A_260 : i32
      %dma_start3A_262 = arith.constant 1 : i32
      %dma_start3A_263 = arith.constant 1 : i32
      %dma_start3A_264 = arith.constant 0 : i32
      %dma_start3A_265 = tpu.memref_slice %arg5[%dma_start3A_262, %dma_start3A_264] : memref<2x256xi32, #tpu.memory_space<vmem>> -> memref<1x256xi32, #tpu.memory_space<vmem>>
      %dma_start3A_266 = tpu.memref_squeeze %dma_start3A_265 : memref<1x256xi32, #tpu.memory_space<vmem>> -> memref<256xi32, #tpu.memory_space<vmem>>
      %dma_start3A_267 = tpu.memref_slice %arg2[%add3A_261] : memref<819200xi32, #tpu.memory_space<hbm>> -> memref<256xi32, #tpu.memory_space<hbm>>
      %dma_start3A_268 = tpu.memref_slice %arg8[%dma_start3A_263] : memref<2x!tpu.dma_semaphore, #tpu.memory_space<semaphore_mem>> -> memref<1x!tpu.dma_semaphore, #tpu.memory_space<semaphore_mem>>
      %dma_start3A_269 = tpu.memref_squeeze %dma_start3A_268 : memref<1x!tpu.dma_semaphore, #tpu.memory_space<semaphore_mem>> -> memref<!tpu.dma_semaphore, #tpu.memory_space<semaphore_mem>>
      %dma_start3A_270 = arith.constant 0 : i32
      %dma_start3A_271 = tpu.memref_slice %arg5[%dma_start3A_262, %dma_start3A_270] : memref<2x256xi32, #tpu.memory_space<vmem>> -> memref<1x256xi32, #tpu.memory_space<vmem>>
      %dma_start3A_272 = tpu.memref_squeeze %dma_start3A_271 : memref<1x256xi32, #tpu.memory_space<vmem>> -> memref<256xi32, #tpu.memory_space<vmem>>
      %dma_start3A_273 = tpu.memref_slice %arg2[%add3A_261] : memref<819200xi32, #tpu.memory_space<hbm>> -> memref<256xi32, #tpu.memory_space<hbm>>
      tpu.enqueue_dma source(%dma_start3A_273 : memref<256xi32, #tpu.memory_space<hbm>>) target(%dma_start3A_272 : memref<256xi32, #tpu.memory_space<vmem>>) target_semaphore(%dma_start3A_269 : memref<!tpu.dma_semaphore, #tpu.memory_space<semaphore_mem>>)
      %dma_wait3A_274 = arith.constant 0 : i32
      %dma_wait3A_275 = arith.constant 0 : i32
      %dma_wait3A_276 = arith.constant 0 : i32
      %dma_wait3A_277 = arith.constant 0 : i32
      %dma_wait3A_278 = arith.constant 0 : i32
      %dma_wait3A_279 = tpu.memref_slice %arg7[%dma_wait3A_275, %dma_wait3A_277, %dma_wait3A_278] : memref<2x64x256xf32, #tpu.memory_space<vmem>> -> memref<1x64x256xf32, #tpu.memory_space<vmem>>
      %dma_wait3A_280 = tpu.memref_squeeze %dma_wait3A_279 : memref<1x64x256xf32, #tpu.memory_space<vmem>> -> memref<64x256xf32, #tpu.memory_space<vmem>>
      %dma_wait3A_281 = arith.constant 0 : i32
      %dma_wait3A_282 = arith.constant 0 : i32
      %dma_wait3A_283 = tpu.memref_slice %arg4[%dma_wait3A_274, %dma_wait3A_281, %dma_wait3A_282] : memref<200x64x4096xf32, #tpu.memory_space<hbm>> -> memref<1x64x256xf32, #tpu.memory_space<hbm>>
      %dma_wait3A_284 = tpu.memref_squeeze %dma_wait3A_283 : memref<1x64x256xf32, #tpu.memory_space<hbm>> -> memref<64x256xf32, #tpu.memory_space<hbm>>
      %dma_wait3A_285 = tpu.memref_slice %arg10[%dma_wait3A_276] : memref<2x!tpu.dma_semaphore, #tpu.memory_space<semaphore_mem>> -> memref<1x!tpu.dma_semaphore, #tpu.memory_space<semaphore_mem>>
      %dma_wait3A_286 = tpu.memref_squeeze %dma_wait3A_285 : memref<1x!tpu.dma_semaphore, #tpu.memory_space<semaphore_mem>> -> memref<!tpu.dma_semaphore, #tpu.memory_space<semaphore_mem>>
      %dma_wait3A_287 = arith.constant 0 : i32
      %dma_wait3A_288 = arith.constant 0 : i32
      %dma_wait3A_289 = tpu.memref_slice %arg7[%dma_wait3A_275, %dma_wait3A_287, %dma_wait3A_288] : memref<2x64x256xf32, #tpu.memory_space<vmem>> -> memref<1x64x256xf32, #tpu.memory_space<vmem>>
      %dma_wait3A_290 = tpu.memref_squeeze %dma_wait3A_289 : memref<1x64x256xf32, #tpu.memory_space<vmem>> -> memref<64x256xf32, #tpu.memory_space<vmem>>
      %dma_wait3A_291 = arith.constant 0 : i32
      %dma_wait3A_292 = arith.constant 0 : i32
      %dma_wait3A_293 = tpu.memref_slice %arg4[%dma_wait3A_274, %dma_wait3A_291, %dma_wait3A_292] : memref<200x64x4096xf32, #tpu.memory_space<hbm>> -> memref<1x64x256xf32, #tpu.memory_space<hbm>>
      %dma_wait3A_294 = tpu.memref_squeeze %dma_wait3A_293 : memref<1x64x256xf32, #tpu.memory_space<hbm>> -> memref<64x256xf32, #tpu.memory_space<hbm>>
      tpu.wait_dma2 semaphore(%dma_wait3A_286 : memref<!tpu.dma_semaphore, #tpu.memory_space<semaphore_mem>>) src(%dma_wait3A_294 : memref<64x256xf32, #tpu.memory_space<hbm>>) dst(%dma_wait3A_290 : memref<64x256xf32, #tpu.memory_space<vmem>>)
      %dma_wait3A_295 = arith.constant 0 : i32
      %dma_wait3A_296 = arith.constant 1 : i32
      %dma_wait3A_297 = arith.constant 1 : i32
      %dma_wait3A_298 = arith.constant 0 : i32
      %dma_wait3A_299 = arith.constant 0 : i32
      %dma_wait3A_300 = tpu.memref_slice %arg7[%dma_wait3A_296, %dma_wait3A_298, %dma_wait3A_299] : memref<2x64x256xf32, #tpu.memory_space<vmem>> -> memref<1x64x256xf32, #tpu.memory_space<vmem>>
      %dma_wait3A_301 = tpu.memref_squeeze %dma_wait3A_300 : memref<1x64x256xf32, #tpu.memory_space<vmem>> -> memref<64x256xf32, #tpu.memory_space<vmem>>
      %dma_wait3A_302 = arith.constant 0 : i32
      %dma_wait3A_303 = arith.constant 0 : i32
      %dma_wait3A_304 = tpu.memref_slice %arg4[%dma_wait3A_295, %dma_wait3A_302, %dma_wait3A_303] : memref<200x64x4096xf32, #tpu.memory_space<hbm>> -> memref<1x64x256xf32, #tpu.memory_space<hbm>>
      %dma_wait3A_305 = tpu.memref_squeeze %dma_wait3A_304 : memref<1x64x256xf32, #tpu.memory_space<hbm>> -> memref<64x256xf32, #tpu.memory_space<hbm>>
      %dma_wait3A_306 = tpu.memref_slice %arg10[%dma_wait3A_297] : memref<2x!tpu.dma_semaphore, #tpu.memory_space<semaphore_mem>> -> memref<1x!tpu.dma_semaphore, #tpu.memory_space<semaphore_mem>>
      %dma_wait3A_307 = tpu.memref_squeeze %dma_wait3A_306 : memref<1x!tpu.dma_semaphore, #tpu.memory_space<semaphore_mem>> -> memref<!tpu.dma_semaphore, #tpu.memory_space<semaphore_mem>>
      %dma_wait3A_308 = arith.constant 0 : i32
      %dma_wait3A_309 = arith.constant 0 : i32
      %dma_wait3A_310 = tpu.memref_slice %arg7[%dma_wait3A_296, %dma_wait3A_308, %dma_wait3A_309] : memref<2x64x256xf32, #tpu.memory_space<vmem>> -> memref<1x64x256xf32, #tpu.memory_space<vmem>>
      %dma_wait3A_311 = tpu.memref_squeeze %dma_wait3A_310 : memref<1x64x256xf32, #tpu.memory_space<vmem>> -> memref<64x256xf32, #tpu.memory_space<vmem>>
      %dma_wait3A_312 = arith.constant 0 : i32
      %dma_wait3A_313 = arith.constant 0 : i32
      %dma_wait3A_314 = tpu.memref_slice %arg4[%dma_wait3A_295, %dma_wait3A_312, %dma_wait3A_313] : memref<200x64x4096xf32, #tpu.memory_space<hbm>> -> memref<1x64x256xf32, #tpu.memory_space<hbm>>
      %dma_wait3A_315 = tpu.memref_squeeze %dma_wait3A_314 : memref<1x64x256xf32, #tpu.memory_space<hbm>> -> memref<64x256xf32, #tpu.memory_space<hbm>>
      tpu.wait_dma2 semaphore(%dma_wait3A_307 : memref<!tpu.dma_semaphore, #tpu.memory_space<semaphore_mem>>) src(%dma_wait3A_315 : memref<64x256xf32, #tpu.memory_space<hbm>>) dst(%dma_wait3A_311 : memref<64x256xf32, #tpu.memory_space<vmem>>)
    }
    %scan3A_33 = arith.constant 50 : i32
    %dma_wait3A = arith.constant 0 : i32
    %dma_wait3A_34 = arith.constant 0 : i32
    %dma_wait3A_35 = arith.constant 0 : i32
    %dma_wait3A_36 = tpu.memref_slice %arg5[%dma_wait3A, %dma_wait3A_35] : memref<2x256xi32, #tpu.memory_space<vmem>> -> memref<1x256xi32, #tpu.memory_space<vmem>>
    %dma_wait3A_37 = tpu.memref_squeeze %dma_wait3A_36 : memref<1x256xi32, #tpu.memory_space<vmem>> -> memref<256xi32, #tpu.memory_space<vmem>>
    %dma_wait3A_38 = tpu.memref_slice %arg2[%mul3A_2] : memref<819200xi32, #tpu.memory_space<hbm>> -> memref<256xi32, #tpu.memory_space<hbm>>
    %dma_wait3A_39 = tpu.memref_slice %arg8[%dma_wait3A_34] : memref<2x!tpu.dma_semaphore, #tpu.memory_space<semaphore_mem>> -> memref<1x!tpu.dma_semaphore, #tpu.memory_space<semaphore_mem>>
    %dma_wait3A_40 = tpu.memref_squeeze %dma_wait3A_39 : memref<1x!tpu.dma_semaphore, #tpu.memory_space<semaphore_mem>> -> memref<!tpu.dma_semaphore, #tpu.memory_space<semaphore_mem>>
    %dma_wait3A_41 = arith.constant 0 : i32
    %dma_wait3A_42 = tpu.memref_slice %arg5[%dma_wait3A, %dma_wait3A_41] : memref<2x256xi32, #tpu.memory_space<vmem>> -> memref<1x256xi32, #tpu.memory_space<vmem>>
    %dma_wait3A_43 = tpu.memref_squeeze %dma_wait3A_42 : memref<1x256xi32, #tpu.memory_space<vmem>> -> memref<256xi32, #tpu.memory_space<vmem>>
    %dma_wait3A_44 = tpu.memref_slice %arg2[%mul3A_2] : memref<819200xi32, #tpu.memory_space<hbm>> -> memref<256xi32, #tpu.memory_space<hbm>>
    tpu.wait_dma2 semaphore(%dma_wait3A_40 : memref<!tpu.dma_semaphore, #tpu.memory_space<semaphore_mem>>) src(%dma_wait3A_44 : memref<256xi32, #tpu.memory_space<hbm>>) dst(%dma_wait3A_43 : memref<256xi32, #tpu.memory_space<vmem>>)
    %dma_wait3A_45 = arith.constant 1 : i32
    %dma_wait3A_46 = arith.constant 1 : i32
    %dma_wait3A_47 = arith.constant 0 : i32
    %dma_wait3A_48 = tpu.memref_slice %arg5[%dma_wait3A_45, %dma_wait3A_47] : memref<2x256xi32, #tpu.memory_space<vmem>> -> memref<1x256xi32, #tpu.memory_space<vmem>>
    %dma_wait3A_49 = tpu.memref_squeeze %dma_wait3A_48 : memref<1x256xi32, #tpu.memory_space<vmem>> -> memref<256xi32, #tpu.memory_space<vmem>>
    %dma_wait3A_50 = tpu.memref_slice %arg2[%mul3A_2] : memref<819200xi32, #tpu.memory_space<hbm>> -> memref<256xi32, #tpu.memory_space<hbm>>
    %dma_wait3A_51 = tpu.memref_slice %arg8[%dma_wait3A_46] : memref<2x!tpu.dma_semaphore, #tpu.memory_space<semaphore_mem>> -> memref<1x!tpu.dma_semaphore, #tpu.memory_space<semaphore_mem>>
    %dma_wait3A_52 = tpu.memref_squeeze %dma_wait3A_51 : memref<1x!tpu.dma_semaphore, #tpu.memory_space<semaphore_mem>> -> memref<!tpu.dma_semaphore, #tpu.memory_space<semaphore_mem>>
    %dma_wait3A_53 = arith.constant 0 : i32
    %dma_wait3A_54 = tpu.memref_slice %arg5[%dma_wait3A_45, %dma_wait3A_53] : memref<2x256xi32, #tpu.memory_space<vmem>> -> memref<1x256xi32, #tpu.memory_space<vmem>>
    %dma_wait3A_55 = tpu.memref_squeeze %dma_wait3A_54 : memref<1x256xi32, #tpu.memory_space<vmem>> -> memref<256xi32, #tpu.memory_space<vmem>>
    %dma_wait3A_56 = tpu.memref_slice %arg2[%mul3A_2] : memref<819200xi32, #tpu.memory_space<hbm>> -> memref<256xi32, #tpu.memory_space<hbm>>
    tpu.wait_dma2 semaphore(%dma_wait3A_52 : memref<!tpu.dma_semaphore, #tpu.memory_space<semaphore_mem>>) src(%dma_wait3A_56 : memref<256xi32, #tpu.memory_space<hbm>>) dst(%dma_wait3A_55 : memref<256xi32, #tpu.memory_space<vmem>>)
    return
  }
}

</mosaic_0001>

<sc_bundles>
// kernel: kernel.3.cloned.1.call-start
scs
__scs_entry_jumppad:
0x0: {  	(pc) =	sbr.rel $0x88, $3  }
0x1: {  	(tag) =	ssettag $0x0;
	lr =	simm.s32 $0x1  }
0x2: {  	[smem:$0x3F9F] =	sst lr;
	_ =	strace $0xD0000000  }
0x3: {  	_ = 	snop  }
0x4: {  	_ = 	snop  }
0x5: {  	_ = 	snop  }
0x6: {  	_ = 	snop  }
0x7: {  	_ = 	snop  }
__scs_overlays_trampoline_lowered:
0x8: {  	[smem:$0x3FAE] =	sst s0  }
0x9: {  	[smem:$0x3FAF] =	sst s1  }
0xa: {  	[smem:$0x3FB0] =	sst s2  }
0xb: {  	[smem:$0x3FB1] =	sst s3  }
0xc: {  	[smem:$0x3FB2] =	sst s4  }
0xd: {  	[smem:$0x3FB3] =	sst s5  }
0xe: {  	[smem:$0x3FB4] =	sst s6  }
0xf: {  	[smem:$0x3FB5] =	sst s7  }
0x10: {  	[smem:$0x3FB6] =	sst s8  }
0x11: {  	[smem:$0x3FB7] =	sst s9;
	s0 =	simm.s32 @!p0 $0x0  }
0x12: {  	s1 =	sld [smem:$0x3F9D];
	s0 =	simm.s32 @p0 $0x1  }
0x13: {  	[smem:$0x3FB8] =	sst s0;
	s0 =	simm.s32 @!p1 $0x0  }
0x14: {  	s2 =	sld [smem:$0x3F9C];
	s0 =	simm.s32 @p1 $0x1  }
0x15: {  	[smem:$0x3FB9] =	sst s0;
	s0 =	simm.s32 @!p2 $0x0  }
0x16: {  	s3 =	sld [smem:$0x3FDB];
	s0 =	simm.s32 @p2 $0x1  }
0x17: {  	s4 =	simm.s32 $0x1BF5;
	[smem:$0x3FBB] =	sst s0  }
0x18: {  	s0 =	sld [smem:$0x3F9E];
	_ =	swait.ge [sflag:s4], $0x0  }
0x19: {  	s7 =	sld [smem:$0x3F9F]  }
0x1a: {  	s8 =	sadd.s32 $0xFFFFE003, lr  }
0x1b: {  	s9 =	sadd.s32 $0xFFFFFEF7, lr;
	s5 =	simm.s32 $0xFFFFFFFF;
	p2 =	slt.u32 s8, $0xFFFFF086  }
0x1c: {  	p1 =	slt.u32 s9, $0xF7A;
	s5 =	simm.s32 @!p2 $0x0  }
0x1d: {  	s5 =	simm.s32 @p1 $0x1;
	p0 =	seq.s32 s7, s2  }
0x1e: {  	s7 =	smul.u32 @!p0 $0xF7A, s2;
	p2 =	seq.s32 @!p0 s5, $0x0  }
0x1f: {  	s9 =	smul.u32 $0xF7A, s1;
	s8 =	simm.s32 @!p0 $0x1BF5;
	p2 =	por !p2, p0  }
0x20: {  	[sflag:s8] =	ssyncset.s32 @!p0 $0xFFFFF086;
	s6 =	sadd.s32 @!p0 s3, s7;
	s7 =	simm.s32 @!p0 $0x108  }
0x21: {  	s3 =	sadd.s32 s3, s9;
	s6 =	sadd.s32 @!p0 $0x88, s6;
	s7 =	simm.s32 @p2 $0x1082  }
0x22: {  	[simem:s7], [sflag:s8] =	dma.local @!p0 [hbm:s6], $0xF7A  }
0x23: {  	s9 =	sor.u32 $0xD0000000, s2;
	s6 =	simm.s32 $0x108;
	_ =	swait.ge @!p0 [sflag:s8], $0x0  }
0x24: {  	s3 =	sadd.s32 $0x88, s3;
	s6 =	simm.s32 @!p1 $0x1082;
	[sflag:s4] =	ssyncset.s32 $0xFFFFF086  }
0x25: {  	[simem:s6], [sflag:s4] =	dma.local [hbm:s3], $0xF7A  }
0x26: {  	[smem:$0x3F9F] =	sst s1;
	(tag) =	ssettag s2;
	_ =	strace s9  }
0x27: {  	s1 =	sld [smem:$0x3FAF]  }
0x28: {  	s2 =	sld [smem:$0x3FB0]  }
0x29: {  	s4 =	sld [smem:$0x3FB2]  }
0x2a: {  	p0 =	seq.s32 s5, $0x0;
	s5 =	sld [smem:$0x3FB3]  }
0x2b: {  	s6 =	sld [smem:$0x3FB4]  }
0x2c: {  	s7 =	sld [smem:$0x3FB5]  }
0x2d: {  	s3 =	simm.s32 $0x108;
	s8 =	sld [smem:$0x3FB6]  }
0x2e: {  	s3 =	simm.s32 @!p0 $0x1082;
	s9 =	sld [smem:$0x3FB7]  }
0x2f: {  	lr =	sadd.s32 s0, s3;
	s0 =	sld [smem:$0x3FAE]  }
0x30: {  	s3 =	sld [smem:$0x3FB1]  }
0x31: {  	[smem:$0x3FBA] =	sst s10  }
0x32: {  	s10 =	sld [smem:$0x3FB8];
	_ =	sdelay $0x3  }
0x33: {  	p0 =	seq.s32 s10, $0x1;
	s10 =	sld [smem:$0x3FBA];
	_ =	sdelay $0x3  }
0x34: {  	[smem:$0x3FBA] =	sst s10  }
0x35: {  	s10 =	sld [smem:$0x3FB9];
	_ =	sdelay $0x3  }
0x36: {  	p1 =	seq.s32 s10, $0x1;
	s10 =	sld [smem:$0x3FBA];
	_ =	sdelay $0x3  }
0x37: {  	[smem:$0x3FBA] =	sst s10  }
0x38: {  	s10 =	sld [smem:$0x3FBB]  }
0x39: {  	_ = 	snop;
	(pc) =	sbr.ind lr, $3  }
0x3a: {  	_ = 	snop  }
0x3b: {  	_ = 	snop  }
0x3c: {  	p2 =	seq.s32 s10, $0x1;
	s10 =	sld [smem:$0x3FBA]  }
0x3d: {  	_ =	shalt  }
0x3e: {  	_ =	shalt  }
0x3f: {  	_ =	shalt  }
0x40: {  	_ =	shalt  }
0x41: {  	_ =	shalt  }
0x42: {  	_ =	shalt  }
0x43: {  	_ =	shalt  }
0x44: {  	_ =	shalt  }
0x45: {  	_ =	shalt  }
0x46: {  	_ =	shalt  }
0x47: {  	_ =	shalt  }
0x48: {  	_ =	shalt  }
0x49: {  	_ =	shalt  }
0x4a: {  	_ =	shalt  }
0x4b: {  	_ =	shalt  }
0x4c: {  	_ =	shalt  }
0x4d: {  	_ =	shalt  }
0x4e: {  	_ =	shalt  }
0x4f: {  	_ =	shalt  }
0x50: {  	_ =	shalt  }
0x51: {  	_ =	shalt  }
0x52: {  	_ =	shalt  }
0x53: {  	_ =	shalt  }
0x54: {  	_ =	shalt  }
0x55: {  	_ =	shalt  }
0x56: {  	_ =	shalt  }
0x57: {  	_ =	shalt  }
0x58: {  	_ =	shalt  }
0x59: {  	_ =	shalt  }
0x5a: {  	_ =	shalt  }
0x5b: {  	_ =	shalt  }
0x5c: {  	_ =	shalt  }
0x5d: {  	_ =	shalt  }
0x5e: {  	_ =	shalt  }
0x5f: {  	_ =	shalt  }
0x60: {  	_ =	shalt  }
0x61: {  	_ =	shalt  }
0x62: {  	_ =	shalt  }
0x63: {  	_ =	shalt  }
0x64: {  	_ =	shalt  }
0x65: {  	_ =	shalt  }
0x66: {  	_ =	shalt  }
0x67: {  	_ =	shalt  }
0x68: {  	_ =	shalt  }
0x69: {  	_ =	shalt  }
0x6a: {  	_ =	shalt  }
0x6b: {  	_ =	shalt  }
0x6c: {  	_ =	shalt  }
0x6d: {  	_ =	shalt  }
0x6e: {  	_ =	shalt  }
0x6f: {  	_ =	shalt  }
0x70: {  	_ =	shalt  }
0x71: {  	_ =	shalt  }
0x72: {  	_ =	shalt  }
0x73: {  	_ =	shalt  }
0x74: {  	_ =	shalt  }
0x75: {  	_ =	shalt  }
0x76: {  	_ =	shalt  }
0x77: {  	_ =	shalt  }
0x78: {  	_ =	shalt  }
0x79: {  	_ =	shalt  }
0x7a: {  	_ =	shalt  }
0x7b: {  	_ =	shalt  }
0x7c: {  	_ =	shalt  }
0x7d: {  	_ =	shalt  }
0x7e: {  	_ =	shalt  }
0x7f: {  	_ =	shalt  }
0x80: {  	_ =	shalt  }
0x81: {  	_ =	shalt  }
0x82: {  	_ =	shalt  }
0x83: {  	_ =	shalt  }
0x84: {  	_ =	shalt  }
0x85: {  	_ =	shalt  }
0x86: {  	_ =	shalt  }
0x87: {  	_ =	shalt  }
.Lfunc_end0:
.L_simem_size_0:
called_computation_lowered:
.L_overlay_start_0:
0x88: {  	s2 =	sld [smem:$0x3FD9]  }
0x89: {  	s3 =	sld [smem:$0x3FFE];
	_ =	sdelay $0x1  }
0x8a: {  	s1 =	srdreg.scid  }
0x8b: {  	s0 =	sand.u32 $0x1, s1  }
0x8c: {  	s17 =	sshll.u32 s0, $0xA;
	s2 =	sadd.s32 s3, s2  }
0x8d: {  	s2 =	sadd.s32 s2, s17  }
0x8e: {  	[smem:$0x3FC6] =	sst s2  }
0x8f: {  	_ = 	snop  }
0x90: {  	s2 =	sld [smem:$0x3FD0];
	(tm) =	ssettm $0x1  }
0x91: {  	s18 =	sld [smem:$0x3FFB];
	_ =	sdelay $0x3  }
0x92: {  	_ =	strace s18  }
0x93: {  	s3 =	sld [smem:$0x3FFC];
	_ =	sdelay $0x3  }
0x94: {  	_ =	strace s3  }
0x95: {  	s3 =	sld [smem:$0x3FFD];
	_ =	sdelay $0x3  }
0x96: {  	_ =	strace s3  }
0x97: {  	_ =	strace $0x8FFFFFFF  }
0x98: {  	s19 =	sld [smem:$0x3FDB];
	_ =	sdelay $0x1  }
0x99: {  	s4 =	simm.s32 $_scs_section_size  }
0x9a: {  	s5 =	simm.s32 $_size__tile_overlayer_lowered;
	s6 =	simm.s32 $_tile_overlayer_lowered  }
0x9b: {  	s22 =	simm.s32 $0x1BFF;
	s21 =	sshll.u32 s6, $0x1;
	s3 =	sadd.s32 s4, s19  }
0x9c: {  	s7 =	simm.s32 $0x0;
	s20 =	sshll.u32 s5, $0x1;
	s5 =	sadd.s32 s21, s3  }
0x9d: {  	[timem:s7], [sflag:s22] =	dma.local [hbm:s5], s20  }
0x9e: {  	_ =	swait.ge [sflag:s22], s20  }
0x9f: {  	s4 =	ssub.s32 $0x0, s20;
	[sflag:s22] =	ssyncset.done $0x0  }
0xa0: {  	[sflag:s22] =	ssyncadd.s32 s4;
	_ =	sdelay $0x1  }
0xa1: {  	s23 =	simm.s32 $0x1B8B  }
0xa2: {  	_ =	swait.ge [sflag:s23], $0x1  }
0xa3: {  	[sflag:s23] =	ssyncset.done $0x0  }
0xa4: {  	s25 =	simm.s32 $0x1B8E;
	s24 =	sld [smem:$0x3FFE];
	[sflag:s23] =	ssyncadd.s32 $0xFFFFFFFF  }
0xa5: {  	s26 =	simm.s32 $execute0_lowered;
	[smem:$0x3FD2] =	sst s25  }
0xa6: {  	s5 =	sshll.u32 s26, $0x1;
	_ =	strace $0x80000046;
	[dreg:$0x1] =	wrdreg $0xFFFFFFFF  }
0xa7: {  	s28 =	simm.s32 $_size_execute0_lowered;
	s3 =	sadd.s32 s3, s5;
	[dreg:$0x0] =	wrdreg $0x0  }
0xa8: {  	s5 =	sshll.u32 s28, $0x1;
	[dreg:$0x2] =	wrdreg s3  }
0xa9: {  	[dreg:$0x3] =	wrdreg s5  }
0xaa: {  	[dreg:$0x4] =	wrdreg $0xC0  }
0xab: {  	_ =	task [dreg:s7], $0x5FFFF  }
0xac: {  	[dreg:$0x1] =	wrdreg $0xFFFFFFFF  }
0xad: {  	[dreg:$0x0] =	wrdreg $0x60  }
0xae: {  	[dreg:$0x2] =	wrdreg s2  }
0xaf: {  	[dreg:$0x3] =	wrdreg s24  }
0xb0: {  	[dreg:$0x4] =	wrdreg $0x9  }
0xb1: {  	_ =	task.clear_ibuf [dreg:s7], $0x5FFFF;
	_ =	strace $0x90000046  }
0xb2: {  	s29 =	simm.s32 $0x9;
	_ =	strace $0x80000048  }
0xb3: {  	_ =	swait.ge [sflag:s29], $0x1  }
0xb4: {  	[sflag:s29] =	ssyncadd.s32 $0xFFFFFFFF  }
0xb5: {  	_ =	strace $0x90000048  }
0xb6: {  	_ =	sfence  }
0xb7: {  	s30 =	sld [smem:$0x0];
	_ =	sdelay $0x2  }
0xb8: {  	s31 =	sshll.u32 s1, $0xD;
	s1 =	sshrl.u32 s1, $0x2  }
0xb9: {  	s3 =	sand.u32 $0x4000, s31;
	s1 =	sadd.s32 s1, s30  }
0xba: {  	s0 =	sor.u32 s3, s0;
	s1 =	sshll.u32 s1, $0x11  }
0xbb: {  	s0 =	sor.u32 s1, s0  }
0xbc: {  	s0 =	sadd.s32 $0x8F2B, s0  }
0xbd: {  	[sflag:s0] =	ssyncadd.remote.s32 $0x1  }
0xbe: {  	_ =	sfence.sel $0xFFFF  }
0xbf: {  	[dreg:$0x0] =	wrdreg $0xFFFFFFFF;
	(pc) =	sbr.abs _section_cstart, $3  }
0xc0: {  	[dreg:$0x1] =	wrdreg $0xFFFFFFFF  }
0xc1: {  	_ =	task.clear_ibuf [dreg:s7], $0x2FFFF;
	_ =	strace $0x9FFFFFFF  }
0xc2: {  	(tm) =	ssettm $0x7FFFFFFF  }
0xc3: {  	_ =	shalt  }
tec
execute0_lowered:
.L_overlay_start_1:
0x0: {  	(tag) =	ssettag $0x1  }
0x1: {  	s2 =	rddreg [dreg:$0x0];
	s0 =	srdreg.scid  }
0x2: {  	s3 =	stileid.u32;
	s1 =	rddreg [dreg:$0x1]  }
0x3: {  	s4 =	simm.s32 $0x0;
	s10 =	simm.s32 $0x100;
	s11 =	simm.s32 $0x1  }
0x4: {  	s12 =	simm.s32 $0x200;
	s29 =	simm.s32 $0x2;
	s30 =	simm.s32 $0x4200  }
0x5: {  	s16 =	simm.s32 $0x6A00;
	s17 =	simm.s32 $0x7200;
	s18 =	simm.s32 $0x7600  }
0x6: {  	s19 =	simm.s32 $0x7A00;
	s20 =	simm.s32 $0x7E00;
	s21 =	simm.s32 $0x3  }
0x7: {  	s22 =	simm.s32 $0x1000;
	s23 =	simm.s32 $0x8200;
	s24 =	simm.s32 $0x4  }
0x8: {  	s25 =	simm.s32 $0xC200;
	s0 =	sand.u32 $0x1, s0;
	s3 =	sshll.u32 s3, $0x1  }
0x9: {  	s28 =	simm.s32 $0x6;
	s3 =	sor.u32 s0, s3;
	s0 =	ssub.s32 $0x2, s0  }
0xa: {  	[smem:$0x7FF] =	sst s4;
	s4 =	smul.u32 $0x6400, s3;
	s26 =	sshrl.u32 s0, $0x1  }
0xb: {  	s15 =	simm.s32 $0x0;
	s5 =	sadd.s32 $0xF42A00, s1;
	s0 =	ssub.s32 s0, s26  }
0xc: {  	s6 =	sadd.s32 $0x600, s1;
	s7 =	sshrl.u32 s4, $0x3;
	s0 =	smax.u32 s0, $0x1  }
0xd: {  	_ =	strace $0x80000047;
	s31 =	sadd.s32 s2, s7;
	[dreg:$0x5] =	wrdreg s0  }
0xe: {  	v0 =	vlaneseq.u32;
	s3 =	simm.s32 $0x6E00;
	[dreg:$0x3] =	wrdreg s31;
	s1 =	sadd.s32 $0x20, s31  }
0xf: {  	vm0 =	vmmov $0xffff;
	v0 =	vmul.u32 $0x40, v0;
	s26 =	simm.s32 $0x5;
	[dreg:$0x4] =	wrdreg s1;
	s1 =	simm.s32 $0x0  }
.LBB2_1:
0x10: {  	[dreg:$0x6] =	wrdreg s1  }
0x11: {  	s0 =	simm.s32 $0x0;
	s13 =	rddreg [dreg:$0x3]  }
0x12: {  	[tilespmem:s0], [sflag:$0x1] =	stream.linear.gather [hbm4b:s13+s0], $0x100, $0x38;
	[tilespmem:$0x10200] =	vst v63  }
0x13: {  	s14 =	rddreg [dreg:$0x4];
	s31 =	simm.s32 $0x0  }
0x14: {  	[tilespmem:s10], [sflag:$0x2] =	stream.linear.gather [hbm4b:s14+s0], $0x100, $0x38;
	[tilespmem:$0x10200] =	vst v63  }
.LBB2_2:
0x15: {  	_ =	swait.ge [sflag:s11], $0x100  }
0x16: {  	[sflag:s11] =	ssyncset.done $0x0  }
0x17: {  	[sflag:s11] =	ssyncadd.s32 $0xFFFFFF00  }
0x18: {  	v1 =	vld [tilespmem:$0x0];
	_ =	sdelay $0x6  }
0x19: {  	s1 =	simm.s32 $0x0  }
0x1a: {  	[tilespmem:s12], [sflag:$0x3] =	stream.indirect_vreg.gather [hbm4b:s5+s1], $0x40, v1, vm0, $0xb8;
	[tilespmem:$0x10200] =	vst v63  }
0x1b: {  	v1 =	vld [tilespmem:$0x10];
	_ =	sdelay $0x6  }
0x1c: {  	s0 =	simm.s32 $0x600  }
0x1d: {  	[tilespmem:s0], [sflag:$0x3] =	stream.indirect_vreg.gather [hbm4b:s5+s1], $0x40, v1, vm0, $0xb8;
	[tilespmem:$0x10200] =	vst v63  }
0x1e: {  	v1 =	vld [tilespmem:$0x20];
	_ =	sdelay $0x6  }
0x1f: {  	s9 =	simm.s32 $0xA00  }
0x20: {  	[tilespmem:s9], [sflag:$0x3] =	stream.indirect_vreg.gather [hbm4b:s5+s1], $0x40, v1, vm0, $0xb8;
	[tilespmem:$0x10200] =	vst v63  }
0x21: {  	v1 =	vld [tilespmem:$0x30];
	_ =	sdelay $0x6  }
0x22: {  	s13 =	simm.s32 $0xE00  }
0x23: {  	[tilespmem:s13], [sflag:$0x3] =	stream.indirect_vreg.gather [hbm4b:s5+s1], $0x40, v1, vm0, $0xb8;
	[tilespmem:$0x10200] =	vst v63  }
0x24: {  	v1 =	vld [tilespmem:$0x40];
	_ =	sdelay $0x6  }
0x25: {  	s14 =	simm.s32 $0x1200  }
0x26: {  	[tilespmem:s14], [sflag:$0x3] =	stream.indirect_vreg.gather [hbm4b:s5+s1], $0x40, v1, vm0, $0xb8;
	[tilespmem:$0x10200] =	vst v63  }
0x27: {  	v1 =	vld [tilespmem:$0x50];
	_ =	sdelay $0x6  }
0x28: {  	s7 =	simm.s32 $0x1600  }
0x29: {  	[tilespmem:s7], [sflag:$0x3] =	stream.indirect_vreg.gather [hbm4b:s5+s1], $0x40, v1, vm0, $0xb8;
	[tilespmem:$0x10200] =	vst v63  }
0x2a: {  	v1 =	vld [tilespmem:$0x60];
	_ =	sdelay $0x6  }
0x2b: {  	s8 =	simm.s32 $0x1A00  }
0x2c: {  	[tilespmem:s8], [sflag:$0x3] =	stream.indirect_vreg.gather [hbm4b:s5+s1], $0x40, v1, vm0, $0xb8;
	[tilespmem:$0x10200] =	vst v63  }
0x2d: {  	v1 =	vld [tilespmem:$0x70];
	_ =	sdelay $0x6  }
0x2e: {  	s9 =	simm.s32 $0x1E00  }
0x2f: {  	[tilespmem:s9], [sflag:$0x3] =	stream.indirect_vreg.gather [hbm4b:s5+s1], $0x40, v1, vm0, $0xb8;
	[tilespmem:$0x10200] =	vst v63  }
0x30: {  	v1 =	vld [tilespmem:$0x80];
	_ =	sdelay $0x6  }
0x31: {  	s13 =	simm.s32 $0x2200  }
0x32: {  	[tilespmem:s13], [sflag:$0x3] =	stream.indirect_vreg.gather [hbm4b:s5+s1], $0x40, v1, vm0, $0xb8;
	[tilespmem:$0x10200] =	vst v63  }
0x33: {  	v1 =	vld [tilespmem:$0x90];
	_ =	sdelay $0x6  }
0x34: {  	s14 =	simm.s32 $0x2600  }
0x35: {  	[tilespmem:s14], [sflag:$0x3] =	stream.indirect_vreg.gather [hbm4b:s5+s1], $0x40, v1, vm0, $0xb8;
	[tilespmem:$0x10200] =	vst v63  }
0x36: {  	v1 =	vld [tilespmem:$0xA0];
	_ =	sdelay $0x6  }
0x37: {  	s7 =	simm.s32 $0x2A00  }
0x38: {  	[tilespmem:s7], [sflag:$0x3] =	stream.indirect_vreg.gather [hbm4b:s5+s1], $0x40, v1, vm0, $0xb8;
	[tilespmem:$0x10200] =	vst v63  }
0x39: {  	v1 =	vld [tilespmem:$0xB0];
	_ =	sdelay $0x6  }
0x3a: {  	s8 =	simm.s32 $0x2E00  }
0x3b: {  	[tilespmem:s8], [sflag:$0x3] =	stream.indirect_vreg.gather [hbm4b:s5+s1], $0x40, v1, vm0, $0xb8;
	[tilespmem:$0x10200] =	vst v63  }
0x3c: {  	v1 =	vld [tilespmem:$0xC0];
	_ =	sdelay $0x6  }
0x3d: {  	s9 =	simm.s32 $0x3200  }
0x3e: {  	[tilespmem:s9], [sflag:$0x3] =	stream.indirect_vreg.gather [hbm4b:s5+s1], $0x40, v1, vm0, $0xb8;
	[tilespmem:$0x10200] =	vst v63  }
0x3f: {  	v1 =	vld [tilespmem:$0xD0];
	_ =	sdelay $0x6  }
0x40: {  	s13 =	simm.s32 $0x3600  }
0x41: {  	[tilespmem:s13], [sflag:$0x3] =	stream.indirect_vreg.gather [hbm4b:s5+s1], $0x40, v1, vm0, $0xb8;
	[tilespmem:$0x10200] =	vst v63  }
0x42: {  	v1 =	vld [tilespmem:$0xE0];
	_ =	sdelay $0x6  }
0x43: {  	s14 =	simm.s32 $0x3A00  }
0x44: {  	[tilespmem:s14], [sflag:$0x3] =	stream.indirect_vreg.gather [hbm4b:s5+s1], $0x40, v1, vm0, $0xb8;
	[tilespmem:$0x10200] =	vst v63  }
0x45: {  	v1 =	vld [tilespmem:$0xF0];
	_ =	sdelay $0x6  }
0x46: {  	s7 =	simm.s32 $0x3E00  }
0x47: {  	[tilespmem:s7], [sflag:$0x3] =	stream.indirect_vreg.gather [hbm4b:s5+s1], $0x40, v1, vm0, $0xb8;
	[tilespmem:$0x10200] =	vst v63  }
0x48: {  	_ =	swait.ge [sflag:s29], $0x100  }
0x49: {  	[sflag:s29] =	ssyncset.done $0x0  }
0x4a: {  	[sflag:s29] =	ssyncadd.s32 $0xFFFFFF00  }
0x4b: {  	v1 =	vld [tilespmem:$0x100];
	_ =	sdelay $0x7  }
0x4c: {  	[tilespmem:s30], [sflag:$0x4] =	stream.indirect_vreg.gather [hbm4b:s5+s1], $0x40, v1, vm0, $0xb8;
	[tilespmem:$0x10200] =	vst v63  }
0x4d: {  	v1 =	vld [tilespmem:$0x110];
	_ =	sdelay $0x6  }
0x4e: {  	s8 =	simm.s32 $0x4600  }
0x4f: {  	[tilespmem:s8], [sflag:$0x4] =	stream.indirect_vreg.gather [hbm4b:s5+s1], $0x40, v1, vm0, $0xb8;
	[tilespmem:$0x10200] =	vst v63  }
0x50: {  	v1 =	vld [tilespmem:$0x120];
	_ =	sdelay $0x6  }
0x51: {  	s9 =	simm.s32 $0x4A00  }
0x52: {  	[tilespmem:s9], [sflag:$0x4] =	stream.indirect_vreg.gather [hbm4b:s5+s1], $0x40, v1, vm0, $0xb8;
	[tilespmem:$0x10200] =	vst v63  }
0x53: {  	v1 =	vld [tilespmem:$0x130];
	_ =	sdelay $0x6  }
0x54: {  	s13 =	simm.s32 $0x4E00  }
0x55: {  	[tilespmem:s13], [sflag:$0x4] =	stream.indirect_vreg.gather [hbm4b:s5+s1], $0x40, v1, vm0, $0xb8;
	[tilespmem:$0x10200] =	vst v63  }
0x56: {  	v1 =	vld [tilespmem:$0x140];
	_ =	sdelay $0x6  }
0x57: {  	s14 =	simm.s32 $0x5200  }
0x58: {  	[tilespmem:s14], [sflag:$0x4] =	stream.indirect_vreg.gather [hbm4b:s5+s1], $0x40, v1, vm0, $0xb8;
	[tilespmem:$0x10200] =	vst v63  }
0x59: {  	v1 =	vld [tilespmem:$0x150];
	_ =	sdelay $0x6  }
0x5a: {  	s7 =	simm.s32 $0x5600  }
0x5b: {  	[tilespmem:s7], [sflag:$0x4] =	stream.indirect_vreg.gather [hbm4b:s5+s1], $0x40, v1, vm0, $0xb8;
	[tilespmem:$0x10200] =	vst v63  }
0x5c: {  	v1 =	vld [tilespmem:$0x160];
	_ =	sdelay $0x6  }
0x5d: {  	s8 =	simm.s32 $0x5A00  }
0x5e: {  	[tilespmem:s8], [sflag:$0x4] =	stream.indirect_vreg.gather [hbm4b:s5+s1], $0x40, v1, vm0, $0xb8;
	[tilespmem:$0x10200] =	vst v63  }
0x5f: {  	v1 =	vld [tilespmem:$0x170];
	_ =	sdelay $0x6  }
0x60: {  	s9 =	simm.s32 $0x5E00  }
0x61: {  	[tilespmem:s9], [sflag:$0x4] =	stream.indirect_vreg.gather [hbm4b:s5+s1], $0x40, v1, vm0, $0xb8;
	[tilespmem:$0x10200] =	vst v63  }
0x62: {  	v1 =	vld [tilespmem:$0x180];
	_ =	sdelay $0x6  }
0x63: {  	s13 =	simm.s32 $0x6200  }
0x64: {  	[tilespmem:s13], [sflag:$0x4] =	stream.indirect_vreg.gather [hbm4b:s5+s1], $0x40, v1, vm0, $0xb8;
	[tilespmem:$0x10200] =	vst v63  }
0x65: {  	v1 =	vld [tilespmem:$0x190];
	_ =	sdelay $0x6  }
0x66: {  	s14 =	simm.s32 $0x6600  }
0x67: {  	[tilespmem:s14], [sflag:$0x4] =	stream.indirect_vreg.gather [hbm4b:s5+s1], $0x40, v1, vm0, $0xb8;
	[tilespmem:$0x10200] =	vst v63  }
0x68: {  	v1 =	vld [tilespmem:$0x1A0];
	_ =	sdelay $0x7  }
0x69: {  	[tilespmem:s16], [sflag:$0x4] =	stream.indirect_vreg.gather [hbm4b:s5+s1], $0x40, v1, vm0, $0xb8;
	[tilespmem:$0x10200] =	vst v63  }
0x6a: {  	v1 =	vld [tilespmem:$0x1B0];
	_ =	sdelay $0x7  }
0x6b: {  	[tilespmem:s3], [sflag:$0x4] =	stream.indirect_vreg.gather [hbm4b:s5+s1], $0x40, v1, vm0, $0xb8;
	[tilespmem:$0x10200] =	vst v63  }
0x6c: {  	v1 =	vld [tilespmem:$0x1C0];
	_ =	sdelay $0x7  }
0x6d: {  	[tilespmem:s17], [sflag:$0x4] =	stream.indirect_vreg.gather [hbm4b:s5+s1], $0x40, v1, vm0, $0xb8;
	[tilespmem:$0x10200] =	vst v63  }
0x6e: {  	v1 =	vld [tilespmem:$0x1D0];
	_ =	sdelay $0x7  }
0x6f: {  	[tilespmem:s18], [sflag:$0x4] =	stream.indirect_vreg.gather [hbm4b:s5+s1], $0x40, v1, vm0, $0xb8;
	[tilespmem:$0x10200] =	vst v63  }
0x70: {  	v1 =	vld [tilespmem:$0x1E0];
	_ =	sdelay $0x7  }
0x71: {  	[tilespmem:s19], [sflag:$0x4] =	stream.indirect_vreg.gather [hbm4b:s5+s1], $0x40, v1, vm0, $0xb8;
	[tilespmem:$0x10200] =	vst v63  }
0x72: {  	v1 =	vld [tilespmem:$0x1F0];
	_ =	sdelay $0x7  }
0x73: {  	[tilespmem:s20], [sflag:$0x4] =	stream.indirect_vreg.gather [hbm4b:s5+s1], $0x40, v1, vm0, $0xb8;
	[tilespmem:$0x10200] =	vst v63  }
0x74: {  	_ =	swait.ge [sflag:s21], $0x4000  }
0x75: {  	[sflag:s21] =	ssyncset.done $0x0  }
0x76: {  	s0 =	simm.s32 $0x8200;
	s8 =	simm.s32 $0x0;
	[sflag:s21] =	ssyncadd.s32 $0xFFFFC000  }
.LBB2_3:
0x77: {  	v1 =	vmov s8  }
0x78: {  	v2 =	vmov s1;
	v1 =	vand.u32 $0x3F, v1  }
0x79: {  	v2 =	vshll.u32 v2, $0x6;
	v1 =	vbroadcast v1, $0x0  }
0x7a: {  	v2 =	vor.u32 v0, v2  }
0x7b: {  	v2 =	vor.u32 v1, v2;
	_ =	sdelay $0x3  }
0x7c: {  	s7 =	simm.s32 $0x10  }
0x7d: {  	v4 =	vld.idx.msk [tilespmem:v2+s12+$0x0], $0xffff;
	v2 =	vmov s7  }
0x7e: {  	v2 =	vshll.u32 v2, $0x6  }
0x7f: {  	v2 =	vor.u32 v0, v2  }
0x80: {  	v2 =	vor.u32 v1, v2;
	_ =	sdelay $0x2  }
0x81: {  	s14 =	simm.s32 $0x20  }
0x82: {  	s9 =	simm.s32 $0x30;
	v3 =	vmov s14;
	s7 =	smov.u32 s0;
	[tilespmem:s0+$0x0] =	vst v4  }
.LBB2_4:
0x83: {  	p0 =	sne.s32 s9, $0xF0;
	v3 =	vshll.u32 v3, $0x6;
	v4 =	vld.idx.msk [tilespmem:v2+s12+$0x0], $0xffff  }
0x84: {  	v2 =	vor.u32 v0, v3  }
.Ltmp0:
0x85: {  	v2 =	vor.u32 v1, v2;
	(pc) =	sbr.rel @p0 .LBB2_4-.Ltmp0, $3  }
0x86: {  	_ =	sdelay $0x1  }
0x87: {  	s7 =	sadd.s32 $0x10, s7  }
0x88: {  	v3 =	vmov s9;
	s9 =	sadd.s32 $0x10, s9;
	[tilespmem:s7+$0x0] =	vst v4  }
0x89: {  	_ =	sdelay $0x2  }
0x8a: {  	v3 =	vshll.u32 v3, $0x6  }
0x8b: {  	v2 =	vld.idx.msk [tilespmem:v2+s12+$0x0], $0xffff;
	v3 =	vor.u32 v0, v3  }
0x8c: {  	v1 =	vor.u32 v1, v3;
	_ =	sdelay $0x2  }
0x8d: {  	s7 =	sadd.s32 $0x10, s7  }
0x8e: {  	s8 =	sadd.s32 $0x1, s8;
	[tilespmem:s7+$0x0] =	vst v2  }
0x8f: {  	p0 =	sne.s32 s8, $0x40;
	v1 =	vld.idx.msk [tilespmem:v1+s12+$0x0], $0xffff  }
.Ltmp1:
0x90: {  	_ = 	snop;
	(pc) =	sbr.rel @p0 .LBB2_3-.Ltmp1, $3  }
0x91: {  	_ =	sdelay $0x1  }
0x92: {  	s7 =	sadd.s32 $0x10, s7  }
0x93: {  	s0 =	sadd.s32 $0x100, s0;
	[tilespmem:s7+$0x0] =	vst v1  }
0x94: {  	s1 =	sshll.u32 s31, $0x9  }
0x95: {  	s0 =	sadd.s32 s4, s1  }
0x96: {  	s7 =	sshll.u32 s0, $0x6  }
0x97: {  	s0 =	sand.u32 $0xE00, s0;
	s7 =	sand.u32 $0x7FFC0000, s7  }
0x98: {  	s0 =	sor.u32 s0, s7  }
0x99: {  	s7 =	sshrl.u32 s0, $0x3;
	s0 =	sshll.u32 s31, $0x1  }
0x9a: {  	s7 =	sadd.s32 s6, s7;
	s14 =	sadd.s32 $0x2, s0  }
0x9b: {  	[hbm4b:s7+s10] =	stream.strided.scatter [tilespmem:s23], [sflag:$0x5], $0x4000, s22, s10, $0x38;
	[tilespmem:$0x10200] =	vst v63  }
0x9c: {  	p0 =	seq.s32 s14, $0x64;
	s7 =	sshll.u32 s14, $0x8  }
0x9d: {  	s7 =	simm.s32 @p0 $0x0  }
0x9e: {  	s7 =	sadd.s32 s4, s7  }
0x9f: {  	s7 =	sshrl.u32 s7, $0x3  }
0xa0: {  	s8 =	simm.s32 $0x0;
	s7 =	sadd.s32 s2, s7  }
0xa1: {  	[tilespmem:s8], [sflag:$0x1] =	stream.linear.gather [hbm4b:s7+s8], $0x100, $0x38;
	[tilespmem:$0x10200] =	vst v63  }
0xa2: {  	_ =	swait.ge [sflag:s24], $0x4000  }
0xa3: {  	[sflag:s24] =	ssyncset.done $0x0  }
0xa4: {  	s13 =	simm.s32 $0xC200;
	s7 =	simm.s32 $0x0;
	[sflag:s24] =	ssyncadd.s32 $0xFFFFC000  }
.LBB2_7:
0xa5: {  	v1 =	vmov s7  }
0xa6: {  	v2 =	vmov s8;
	v1 =	vand.u32 $0x3F, v1  }
0xa7: {  	v2 =	vshll.u32 v2, $0x6;
	v1 =	vbroadcast v1, $0x0  }
0xa8: {  	v2 =	vor.u32 v0, v2  }
0xa9: {  	v2 =	vor.u32 v1, v2;
	_ =	sdelay $0x3  }
0xaa: {  	s9 =	simm.s32 $0x10  }
0xab: {  	v4 =	vld.idx.msk [tilespmem:v2+s30+$0x0], $0xffff;
	v2 =	vmov s9  }
0xac: {  	v2 =	vshll.u32 v2, $0x6  }
0xad: {  	v2 =	vor.u32 v0, v2  }
0xae: {  	v2 =	vor.u32 v1, v2;
	_ =	sdelay $0x2  }
0xaf: {  	s14 =	simm.s32 $0x20  }
0xb0: {  	v3 =	vmov s14;
	s14 =	simm.s32 $0x30;
	s9 =	smov.u32 s13;
	[tilespmem:s13+$0x0] =	vst v4  }
.LBB2_8:
0xb1: {  	p0 =	sne.s32 s14, $0xF0;
	v3 =	vshll.u32 v3, $0x6;
	v4 =	vld.idx.msk [tilespmem:v2+s30+$0x0], $0xffff  }
0xb2: {  	v2 =	vor.u32 v0, v3  }
.Ltmp2:
0xb3: {  	v2 =	vor.u32 v1, v2;
	(pc) =	sbr.rel @p0 .LBB2_8-.Ltmp2, $3  }
0xb4: {  	_ =	sdelay $0x1  }
0xb5: {  	s9 =	sadd.s32 $0x10, s9  }
0xb6: {  	v3 =	vmov s14;
	s14 =	sadd.s32 $0x10, s14;
	[tilespmem:s9+$0x0] =	vst v4  }
0xb7: {  	_ =	sdelay $0x2  }
0xb8: {  	v3 =	vshll.u32 v3, $0x6  }
0xb9: {  	v2 =	vld.idx.msk [tilespmem:v2+s30+$0x0], $0xffff;
	v3 =	vor.u32 v0, v3  }
0xba: {  	v1 =	vor.u32 v1, v3;
	_ =	sdelay $0x2  }
0xbb: {  	s9 =	sadd.s32 $0x10, s9  }
0xbc: {  	s7 =	sadd.s32 $0x1, s7;
	[tilespmem:s9+$0x0] =	vst v2  }
0xbd: {  	p0 =	sne.s32 s7, $0x40;
	v1 =	vld.idx.msk [tilespmem:v1+s30+$0x0], $0xffff  }
.Ltmp3:
0xbe: {  	_ = 	snop;
	(pc) =	sbr.rel @p0 .LBB2_7-.Ltmp3, $3  }
0xbf: {  	_ =	sdelay $0x1  }
0xc0: {  	s9 =	sadd.s32 $0x10, s9  }
0xc1: {  	s13 =	sadd.s32 $0x100, s13;
	[tilespmem:s9+$0x0] =	vst v1  }
0xc2: {  	s1 =	sadd.s32 s1, s4;
	s0 =	sadd.s32 $0x3, s0  }
0xc3: {  	s1 =	sadd.s32 $0x100, s1;
	s8 =	smulhi.u32 $0x51EB851F, s0  }
0xc4: {  	s7 =	sshll.u32 s1, $0x6  }
0xc5: {  	s1 =	sand.u32 $0xF00, s1;
	s7 =	sand.u32 $0x7FFC0000, s7;
	s14 =	sshrl.u32 s8, $0x5  }
0xc6: {  	s1 =	sor.u32 s1, s7;
	s7 =	smul.u32 $0x64, s14  }
0xc7: {  	s1 =	sshrl.u32 s1, $0x3  }
0xc8: {  	s1 =	sadd.s32 s6, s1;
	s0 =	ssub.s32 s0, s7  }
0xc9: {  	[hbm4b:s1+s10] =	stream.strided.scatter [tilespmem:s25], [sflag:$0x6], $0x4000, s22, s10, $0x38;
	[tilespmem:$0x10200] =	vst v63  }
0xca: {  	s0 =	sshll.u32 s0, $0x8  }
0xcb: {  	s0 =	sadd.s32 s4, s0  }
0xcc: {  	s0 =	sshrl.u32 s0, $0x3  }
0xcd: {  	s31 =	sadd.s32 $0x1, s31;
	s0 =	sadd.s32 s2, s0  }
0xce: {  	[tilespmem:s10], [sflag:$0x2] =	stream.linear.gather [hbm4b:s0+s15], $0x100, $0x38;
	[tilespmem:$0x10200] =	vst v63  }
0xcf: {  	p0 =	sne.s32 s31, $0x32;
	_ =	swait.ge [sflag:s26], $0x4000  }
.Ltmp4:
0xd0: {  	[sflag:s26] =	ssyncset.done $0x0;
	(pc) =	sbr.rel @p0 .LBB2_2-.Ltmp4, $4  }
0xd1: {  	[sflag:s26] =	ssyncadd.s32 $0xFFFFC000  }
0xd2: {  	_ =	swait.ge [sflag:s28], $0x4000  }
0xd3: {  	[sflag:s28] =	ssyncset.done $0x0  }
0xd4: {  	[sflag:s28] =	ssyncadd.s32 $0xFFFFC000  }
0xd5: {  	_ =	swait.ge [sflag:s11], $0x100  }
0xd6: {  	[sflag:s11] =	ssyncset.done $0x0  }
0xd7: {  	[sflag:s11] =	ssyncadd.s32 $0xFFFFFF00  }
0xd8: {  	_ =	swait.ge [sflag:s29], $0x100  }
0xd9: {  	s1 =	rddreg [dreg:$0x6]  }
0xda: {  	s0 =	rddreg [dreg:$0x5];
	s1 =	sadd.s32 $0x1, s1  }
0xdb: {  	p0 =	sne.s32 s1, s0  }
.Ltmp5:
0xdc: {  	_ = 	snop;
	(pc) =	sbr.rel @p0 .LBB2_1-.Ltmp5, $3  }
0xdd: {  	_ =	sdelay $0x1  }
0xde: {  	[sflag:s29] =	ssyncset.done $0x0  }
0xdf: {  	[sflag:s29] =	ssyncadd.s32 $0xFFFFFF00  }
0xe0: {  	_ =	sfence.sel $0x180000  }
0xe1: {  	[bflag:$0x0] =	sbarrier.arrive $0xFFFF  }
0xe2: {  	_ =	strace $0x90000047  }
0xe3: {  	s0 =	stileid.u32;
	[bflag:$0x2] =	sbarrier.arrive $0xFFFF  }
0xe4: {  	p0 =	sne.s32 s0, $0x0;
	s0 =	rddreg [dreg:$0x2]  }
0xe5: {  	s0 =	sadd.s32 @!p0 $0x100000, s0  }
0xe6: {  	[sflag:s0] =	ssyncadd.tile.s32 @!p0 $0x1;
	_ =	shalt  }
.Lfunc_end2:
_tile_overlayer_lowered:
.L_overlay_start_2:
0xe7: {  	(tag) =	ssettag $0x2  }
0xe8: {  	s0 =	rddreg [dreg:$0x0];
	s2 =	stileid.u32  }
0xe9: {  	s1 =	rddreg [dreg:$0x1];
	p0 =	sne.s32 s2, $0x0  }
0xea: {  	s3 =	rddreg [dreg:$0x2];
	[bflag:$0x3] =	sbarrier.arrive $0xFFFF;
	s2 =	simm.s32 @!p0 $0x1C07  }
0xeb: {  	[timem:s3], [sflag:s2] =	dma.local @!p0 [hbm:s0], s1  }
0xec: {  	s0 =	simm.s32 @!p0 $0x7  }
0xed: {  	_ =	swait.ge @!p0 [sflag:s0], s1  }
0xee: {  	s1 =	ssub.s32 @!p0 $0x0, s1;
	[sflag:s0] =	ssyncset.done @!p0 $0x0  }
0xef: {  	[sflag:s0] =	ssyncadd.s32 @!p0 s1  }
0xf0: {  	[bflag:$0x3] =	sbarrier.arrive $0xFFFF  }
0xf1: {  	_ =	shalt  }

</sc_bundles>
